<compile_context>
chip_gen: v7x
topology: tpu7x:2x2x1
jax: 0.10.2.dev20260603
libtpu: 0.0.44.dev20260713+nightly
codegen_flags: <defaults>
</compile_context>

<pallas_src>
import jax
import jax.numpy as jnp
from jax import lax
from jax.experimental import pallas as pl
from jax.experimental.pallas import tpu as pltpu
from jax.experimental.pallas import tpu_sc as plsc

B, H, D = 4096, 200, 64
ROWS = B * H
NC, NS = 2, 16
NW = NC * NS
RPW = ROWS // NW
C = 128
IROWS = ROWS // C
IRPW = IROWS // NW
NBUF = 4
T = IRPW // NBUF


def _body(idx_hbm, verbs_hbm, nouns_hbm, out_hbm,
          vidx_v, nidx_v,
          vb0, vb1, vb2, vb3, nb0, nb1, nb2, nb3,
          sem_gv, sem_gn, sem_wv, sem_wn):
    vbufs = [vb0, vb1, vb2, vb3]
    nbufs = [nb0, nb1, nb2, nb3]
    wid = lax.axis_index("s") * NC + lax.axis_index("c")
    row0 = wid * RPW

    pltpu.sync_copy(idx_hbm.at[0, pl.ds(wid * IRPW, IRPW)], vidx_v)
    pltpu.sync_copy(idx_hbm.at[1, pl.ds(wid * IRPW, IRPW)], nidx_v)

    def wait_write_v(j):
        pltpu.make_async_copy(
            vbufs[j], out_hbm.at[pl.ds(0, C), pl.ds(0, D)], sem_wv.at[j]).wait()

    def wait_write_n(j):
        pltpu.make_async_copy(
            nbufs[j], out_hbm.at[pl.ds(0, C), pl.ds(D, D)], sem_wn.at[j]).wait()

    def block(t, carry):
        @pl.when(t > 0)
        def _():
            for j in range(NBUF):
                wait_write_v(j)
                wait_write_n(j)
        cps = []
        for j in range(NBUF):
            g = t * NBUF + j
            cps.append((
                pltpu.async_copy(verbs_hbm.at[vidx_v.at[g]], vbufs[j], sem_gv.at[j]),
                pltpu.async_copy(nouns_hbm.at[nidx_v.at[g]], nbufs[j], sem_gn.at[j]),
            ))
        for j in range(NBUF):
            g = t * NBUF + j
            r0 = row0 + g * C
            cps[j][0].wait()
            cps[j][1].wait()
            pltpu.async_copy(vbufs[j], out_hbm.at[pl.ds(r0, C), pl.ds(0, D)], sem_wv.at[j])
            pltpu.async_copy(nbufs[j], out_hbm.at[pl.ds(r0, C), pl.ds(D, D)], sem_wn.at[j])
        return carry

    lax.fori_loop(0, T, block, 0)
    for j in range(NBUF):
        wait_write_v(j)
        wait_write_n(j)


@jax.jit
def _run(idx, verbs_table, nouns_table):
    fn = pl.kernel(
        _body,
        out_type=jax.ShapeDtypeStruct((ROWS, 2 * D), jnp.float32),
        mesh=plsc.VectorSubcoreMesh(core_axis_name="c", subcore_axis_name="s"),
        compiler_params=pltpu.CompilerParams(
            use_tc_tiling_on_sc=False, needs_layout_passes=False),
        scratch_types=(
            [pltpu.VMEM((IRPW, C), jnp.int32)] * 2
            + [pltpu.VMEM((C, D), jnp.float32)] * (2 * NBUF)
            + [pltpu.SemaphoreType.DMA((NBUF,))] * 4
        ),
    )
    return fn(idx, verbs_table, nouns_table)


def kernel(observed_labels, verbs_table, nouns_table):
    idx = observed_labels.reshape(ROWS, 2).T.reshape(2, IROWS, C)
    out = _run(idx, verbs_table, nouns_table)
    return out.reshape(B, H, 2 * D)

# --- scband reference (transcript-rebuilt; emitter-appended) ---
"""Pipeline reference for scband-embedding-actions-46316927320209 (READ-ONLY COPY).

The authoritative reference and input builder live on the scoring server;
editing this copy changes nothing except your own understanding.
"""

import jax, jax.numpy as jnp
import numpy as np

NUM_VERBS = 1000
NUM_NOUNS = 100000
LATENT_DIM = 64
BATCH = 4096
HIST = 200


def setup_inputs(seed: int = 0) -> dict:
    key = jax.random.key(seed)
    k1, k2, k3 = jax.random.split(key, 3)
    observed_labels = jax.random.randint(k1, (BATCH, HIST, 2), 0, 1000, dtype=jnp.int64 if jax.config.read('jax_enable_x64') else jnp.int32).astype(jnp.int32)
    verbs_table = jax.random.normal(k2, (NUM_VERBS, LATENT_DIM), dtype=jnp.float32)
    nouns_table = jax.random.normal(k3, (NUM_NOUNS, LATENT_DIM), dtype=jnp.float32)
    return {"observed_labels": observed_labels, "verbs_table": verbs_table, "nouns_table": nouns_table}


def reference(observed_labels, verbs_table, nouns_table):
    # featuretype is not 'vision'/'language' substring, pair_embedding=False
    observed_verbs = jnp.take(verbs_table, observed_labels[:, :, 0], axis=0)
    observed_nouns = jnp.take(nouns_table, observed_labels[:, :, 1], axis=0)
    inputs = jnp.concatenate((observed_verbs, observed_nouns), axis=2)
    return inputs

if __name__ == "__main__":
    import jax
    _d = setup_inputs()
    print(jax.jit(kernel)(*tuple(_d.values())))

</pallas_src>

<mosaic_0001>
#map = affine_map<(d0, d1) -> (0, 0, 0)>
#map1 = affine_map<(d0, d1) -> (0, 0)>
module attributes {stable_mosaic.version = 14 : i64} {
  func.func @_body(%arg0: i32, %arg1: i32, %arg2: memref<2x6400x128xi32, #tpu.memory_space<hbm>>, %arg3: memref<1000x64xf32, #tpu.memory_space<hbm>>, %arg4: memref<100000x64xf32, #tpu.memory_space<hbm>>, %arg5: memref<819200x128xf32, #tpu.memory_space<hbm>>, %arg6: memref<200x128xi32, #tpu.memory_space<vmem>>, %arg7: memref<200x128xi32, #tpu.memory_space<vmem>>, %arg8: memref<128x64xf32, #tpu.memory_space<vmem>>, %arg9: memref<128x64xf32, #tpu.memory_space<vmem>>, %arg10: memref<128x64xf32, #tpu.memory_space<vmem>>, %arg11: memref<128x64xf32, #tpu.memory_space<vmem>>, %arg12: memref<128x64xf32, #tpu.memory_space<vmem>>, %arg13: memref<128x64xf32, #tpu.memory_space<vmem>>, %arg14: memref<128x64xf32, #tpu.memory_space<vmem>>, %arg15: memref<128x64xf32, #tpu.memory_space<vmem>>, %arg16: memref<4x!tpu.dma_semaphore, #tpu.memory_space<semaphore_mem>>, %arg17: memref<4x!tpu.dma_semaphore, #tpu.memory_space<semaphore_mem>>, %arg18: memref<4x!tpu.dma_semaphore, #tpu.memory_space<semaphore_mem>>, %arg19: memref<4x!tpu.dma_semaphore, #tpu.memory_space<semaphore_mem>>) attributes {dimension_semantics = [#tpu.dimension_semantics<core_parallel>, #tpu.dimension_semantics<subcore_parallel>], iteration_bounds = array<i64: 2, 16>, scalar_prefetch = 0 : i64, scratch_operands = 14 : i64, tpu.core_type = #tpu.core_type<sc_vector_subcore>, window_params = [{transform_indices = #map}, {transform_indices = #map1}, {transform_indices = #map1}, {transform_indices = #map1}]} {
    %mul3A = arith.constant 2 : i32
    %mul3A_0 = arith.muli %arg1, %mul3A : i32
    %add3A = arith.addi %mul3A_0, %arg0 : i32
    %mul3A_1 = arith.constant 25600 : i32
    %mul3A_2 = arith.muli %add3A, %mul3A_1 : i32
    %mul3A_3 = arith.constant 200 : i32
    %mul3A_4 = arith.muli %add3A, %mul3A_3 : i32
    %run_scoped3A = arith.constant 0 : i32
    "tpu.region"() ({
      %run_scoped3A_84 = tpu.sem_alloc : memref<!tpu.dma_semaphore, #tpu.memory_space<semaphore_mem>>
      %dma_start3A = arith.constant 0 : i32
      %dma_start3A_85 = tpu.memref_slice %arg2[%run_scoped3A, %mul3A_4, %dma_start3A] : memref<2x6400x128xi32, #tpu.memory_space<hbm>> -> memref<1x200x128xi32, #tpu.memory_space<hbm>>
      %dma_start3A_86 = tpu.memref_squeeze %dma_start3A_85 : memref<1x200x128xi32, #tpu.memory_space<hbm>> -> memref<200x128xi32, #tpu.memory_space<hbm>>
      %dma_start3A_87 = arith.constant 0 : i32
      %dma_start3A_88 = tpu.memref_slice %arg2[%run_scoped3A, %mul3A_4, %dma_start3A_87] : memref<2x6400x128xi32, #tpu.memory_space<hbm>> -> memref<1x200x128xi32, #tpu.memory_space<hbm>>
      %dma_start3A_89 = tpu.memref_squeeze %dma_start3A_88 : memref<1x200x128xi32, #tpu.memory_space<hbm>> -> memref<200x128xi32, #tpu.memory_space<hbm>>
      tpu.enqueue_dma source(%dma_start3A_89 : memref<200x128xi32, #tpu.memory_space<hbm>>) target(%arg6 : memref<200x128xi32, #tpu.memory_space<vmem>>) target_semaphore(%run_scoped3A_84 : memref<!tpu.dma_semaphore, #tpu.memory_space<semaphore_mem>>)
      %dma_wait3A_90 = arith.constant 0 : i32
      %dma_wait3A_91 = tpu.memref_slice %arg2[%run_scoped3A, %mul3A_4, %dma_wait3A_90] : memref<2x6400x128xi32, #tpu.memory_space<hbm>> -> memref<1x200x128xi32, #tpu.memory_space<hbm>>
      %dma_wait3A_92 = tpu.memref_squeeze %dma_wait3A_91 : memref<1x200x128xi32, #tpu.memory_space<hbm>> -> memref<200x128xi32, #tpu.memory_space<hbm>>
      %dma_wait3A_93 = arith.constant 0 : i32
      %dma_wait3A_94 = tpu.memref_slice %arg2[%run_scoped3A, %mul3A_4, %dma_wait3A_93] : memref<2x6400x128xi32, #tpu.memory_space<hbm>> -> memref<1x200x128xi32, #tpu.memory_space<hbm>>
      %dma_wait3A_95 = tpu.memref_squeeze %dma_wait3A_94 : memref<1x200x128xi32, #tpu.memory_space<hbm>> -> memref<200x128xi32, #tpu.memory_space<hbm>>
      tpu.wait_dma2 semaphore(%run_scoped3A_84 : memref<!tpu.dma_semaphore, #tpu.memory_space<semaphore_mem>>) src(%dma_wait3A_95 : memref<200x128xi32, #tpu.memory_space<hbm>>) dst(%arg6 : memref<200x128xi32, #tpu.memory_space<vmem>>)
      tpu.yield
    }) : () -> ()
    %mul3A_5 = arith.constant 200 : i32
    %mul3A_6 = arith.muli %add3A, %mul3A_5 : i32
    %run_scoped3A_7 = arith.constant 1 : i32
    "tpu.region"() ({
      %run_scoped3A_84 = tpu.sem_alloc : memref<!tpu.dma_semaphore, #tpu.memory_space<semaphore_mem>>
      %dma_start3A = arith.constant 0 : i32
      %dma_start3A_85 = tpu.memref_slice %arg2[%run_scoped3A_7, %mul3A_6, %dma_start3A] : memref<2x6400x128xi32, #tpu.memory_space<hbm>> -> memref<1x200x128xi32, #tpu.memory_space<hbm>>
      %dma_start3A_86 = tpu.memref_squeeze %dma_start3A_85 : memref<1x200x128xi32, #tpu.memory_space<hbm>> -> memref<200x128xi32, #tpu.memory_space<hbm>>
      %dma_start3A_87 = arith.constant 0 : i32
      %dma_start3A_88 = tpu.memref_slice %arg2[%run_scoped3A_7, %mul3A_6, %dma_start3A_87] : memref<2x6400x128xi32, #tpu.memory_space<hbm>> -> memref<1x200x128xi32, #tpu.memory_space<hbm>>
      %dma_start3A_89 = tpu.memref_squeeze %dma_start3A_88 : memref<1x200x128xi32, #tpu.memory_space<hbm>> -> memref<200x128xi32, #tpu.memory_space<hbm>>
      tpu.enqueue_dma source(%dma_start3A_89 : memref<200x128xi32, #tpu.memory_space<hbm>>) target(%arg7 : memref<200x128xi32, #tpu.memory_space<vmem>>) target_semaphore(%run_scoped3A_84 : memref<!tpu.dma_semaphore, #tpu.memory_space<semaphore_mem>>)
      %dma_wait3A_90 = arith.constant 0 : i32
      %dma_wait3A_91 = tpu.memref_slice %arg2[%run_scoped3A_7, %mul3A_6, %dma_wait3A_90] : memref<2x6400x128xi32, #tpu.memory_space<hbm>> -> memref<1x200x128xi32, #tpu.memory_space<hbm>>
      %dma_wait3A_92 = tpu.memref_squeeze %dma_wait3A_91 : memref<1x200x128xi32, #tpu.memory_space<hbm>> -> memref<200x128xi32, #tpu.memory_space<hbm>>
      %dma_wait3A_93 = arith.constant 0 : i32
      %dma_wait3A_94 = tpu.memref_slice %arg2[%run_scoped3A_7, %mul3A_6, %dma_wait3A_93] : memref<2x6400x128xi32, #tpu.memory_space<hbm>> -> memref<1x200x128xi32, #tpu.memory_space<hbm>>
      %dma_wait3A_95 = tpu.memref_squeeze %dma_wait3A_94 : memref<1x200x128xi32, #tpu.memory_space<hbm>> -> memref<200x128xi32, #tpu.memory_space<hbm>>
      tpu.wait_dma2 semaphore(%run_scoped3A_84 : memref<!tpu.dma_semaphore, #tpu.memory_space<semaphore_mem>>) src(%dma_wait3A_95 : memref<200x128xi32, #tpu.memory_space<hbm>>) dst(%arg7 : memref<200x128xi32, #tpu.memory_space<vmem>>)
      tpu.yield
    }) : () -> ()
    %scan3A = arith.constant 0 : i32
    %scan3A_8 = arith.constant 0 : i32
    %scan3A_9 = arith.constant 50 : i32
    %scan3A_10 = arith.addi %scan3A_8, %scan3A_9 : i32
    %scan3A_11 = arith.constant 1 : i32
    scf.for %scan3A_84 = %scan3A_8 to %scan3A_10 step %scan3A_11  : i32 {
      %gt3A = arith.constant 0 : i32
      %gt3A_85 = arith.cmpi sgt, %scan3A_84, %gt3A : i32
      %convert_element_type3A = arith.extui %gt3A_85 : i1 to i32
      %cond3A = arith.constant 0 : i32
      %cond3A_86 = arith.cmpi ne, %convert_element_type3A, %cond3A : i32
      scf.if %cond3A_86 {
        %dma_wait3A_330 = arith.constant 0 : i32
        %dma_wait3A_331 = arith.constant 0 : i32
        %dma_wait3A_332 = arith.constant 0 : i32
        %dma_wait3A_333 = tpu.memref_slice %arg5[%dma_wait3A_331, %dma_wait3A_332] : memref<819200x128xf32, #tpu.memory_space<hbm>> -> memref<128x64xf32, #tpu.memory_space<hbm>>
        %dma_wait3A_334 = tpu.memref_slice %arg18[%dma_wait3A_330] : memref<4x!tpu.dma_semaphore, #tpu.memory_space<semaphore_mem>> -> memref<1x!tpu.dma_semaphore, #tpu.memory_space<semaphore_mem>>
        %dma_wait3A_335 = tpu.memref_squeeze %dma_wait3A_334 : memref<1x!tpu.dma_semaphore, #tpu.memory_space<semaphore_mem>> -> memref<!tpu.dma_semaphore, #tpu.memory_space<semaphore_mem>>
        %dma_wait3A_336 = arith.constant 0 : i32
        %dma_wait3A_337 = arith.constant 0 : i32
        %dma_wait3A_338 = tpu.memref_slice %arg5[%dma_wait3A_336, %dma_wait3A_337] : memref<819200x128xf32, #tpu.memory_space<hbm>> -> memref<128x64xf32, #tpu.memory_space<hbm>>
        tpu.wait_dma2 semaphore(%dma_wait3A_335 : memref<!tpu.dma_semaphore, #tpu.memory_space<semaphore_mem>>) src(%arg8 : memref<128x64xf32, #tpu.memory_space<vmem>>) dst(%dma_wait3A_338 : memref<128x64xf32, #tpu.memory_space<hbm>>)
        %dma_wait3A_339 = arith.constant 0 : i32
        %dma_wait3A_340 = arith.constant 0 : i32
        %dma_wait3A_341 = arith.constant 64 : i32
        %dma_wait3A_342 = tpu.memref_slice %arg5[%dma_wait3A_340, %dma_wait3A_341] : memref<819200x128xf32, #tpu.memory_space<hbm>> -> memref<128x64xf32, #tpu.memory_space<hbm>>
        %dma_wait3A_343 = tpu.memref_slice %arg19[%dma_wait3A_339] : memref<4x!tpu.dma_semaphore, #tpu.memory_space<semaphore_mem>> -> memref<1x!tpu.dma_semaphore, #tpu.memory_space<semaphore_mem>>
        %dma_wait3A_344 = tpu.memref_squeeze %dma_wait3A_343 : memref<1x!tpu.dma_semaphore, #tpu.memory_space<semaphore_mem>> -> memref<!tpu.dma_semaphore, #tpu.memory_space<semaphore_mem>>
        %dma_wait3A_345 = arith.constant 0 : i32
        %dma_wait3A_346 = arith.constant 64 : i32
        %dma_wait3A_347 = tpu.memref_slice %arg5[%dma_wait3A_345, %dma_wait3A_346] : memref<819200x128xf32, #tpu.memory_space<hbm>> -> memref<128x64xf32, #tpu.memory_space<hbm>>
        tpu.wait_dma2 semaphore(%dma_wait3A_344 : memref<!tpu.dma_semaphore, #tpu.memory_space<semaphore_mem>>) src(%arg12 : memref<128x64xf32, #tpu.memory_space<vmem>>) dst(%dma_wait3A_347 : memref<128x64xf32, #tpu.memory_space<hbm>>)
        %dma_wait3A_348 = arith.constant 1 : i32
        %dma_wait3A_349 = arith.constant 0 : i32
        %dma_wait3A_350 = arith.constant 0 : i32
        %dma_wait3A_351 = tpu.memref_slice %arg5[%dma_wait3A_349, %dma_wait3A_350] : memref<819200x128xf32, #tpu.memory_space<hbm>> -> memref<128x64xf32, #tpu.memory_space<hbm>>
        %dma_wait3A_352 = tpu.memref_slice %arg18[%dma_wait3A_348] : memref<4x!tpu.dma_semaphore, #tpu.memory_space<semaphore_mem>> -> memref<1x!tpu.dma_semaphore, #tpu.memory_space<semaphore_mem>>
        %dma_wait3A_353 = tpu.memref_squeeze %dma_wait3A_352 : memref<1x!tpu.dma_semaphore, #tpu.memory_space<semaphore_mem>> -> memref<!tpu.dma_semaphore, #tpu.memory_space<semaphore_mem>>
        %dma_wait3A_354 = arith.constant 0 : i32
        %dma_wait3A_355 = arith.constant 0 : i32
        %dma_wait3A_356 = tpu.memref_slice %arg5[%dma_wait3A_354, %dma_wait3A_355] : memref<819200x128xf32, #tpu.memory_space<hbm>> -> memref<128x64xf32, #tpu.memory_space<hbm>>
        tpu.wait_dma2 semaphore(%dma_wait3A_353 : memref<!tpu.dma_semaphore, #tpu.memory_space<semaphore_mem>>) src(%arg9 : memref<128x64xf32, #tpu.memory_space<vmem>>) dst(%dma_wait3A_356 : memref<128x64xf32, #tpu.memory_space<hbm>>)
        %dma_wait3A_357 = arith.constant 1 : i32
        %dma_wait3A_358 = arith.constant 0 : i32
        %dma_wait3A_359 = arith.constant 64 : i32
        %dma_wait3A_360 = tpu.memref_slice %arg5[%dma_wait3A_358, %dma_wait3A_359] : memref<819200x128xf32, #tpu.memory_space<hbm>> -> memref<128x64xf32, #tpu.memory_space<hbm>>
        %dma_wait3A_361 = tpu.memref_slice %arg19[%dma_wait3A_357] : memref<4x!tpu.dma_semaphore, #tpu.memory_space<semaphore_mem>> -> memref<1x!tpu.dma_semaphore, #tpu.memory_space<semaphore_mem>>
        %dma_wait3A_362 = tpu.memref_squeeze %dma_wait3A_361 : memref<1x!tpu.dma_semaphore, #tpu.memory_space<semaphore_mem>> -> memref<!tpu.dma_semaphore, #tpu.memory_space<semaphore_mem>>
        %dma_wait3A_363 = arith.constant 0 : i32
        %dma_wait3A_364 = arith.constant 64 : i32
        %dma_wait3A_365 = tpu.memref_slice %arg5[%dma_wait3A_363, %dma_wait3A_364] : memref<819200x128xf32, #tpu.memory_space<hbm>> -> memref<128x64xf32, #tpu.memory_space<hbm>>
        tpu.wait_dma2 semaphore(%dma_wait3A_362 : memref<!tpu.dma_semaphore, #tpu.memory_space<semaphore_mem>>) src(%arg13 : memref<128x64xf32, #tpu.memory_space<vmem>>) dst(%dma_wait3A_365 : memref<128x64xf32, #tpu.memory_space<hbm>>)
        %dma_wait3A_366 = arith.constant 2 : i32
        %dma_wait3A_367 = arith.constant 0 : i32
        %dma_wait3A_368 = arith.constant 0 : i32
        %dma_wait3A_369 = tpu.memref_slice %arg5[%dma_wait3A_367, %dma_wait3A_368] : memref<819200x128xf32, #tpu.memory_space<hbm>> -> memref<128x64xf32, #tpu.memory_space<hbm>>
        %dma_wait3A_370 = tpu.memref_slice %arg18[%dma_wait3A_366] : memref<4x!tpu.dma_semaphore, #tpu.memory_space<semaphore_mem>> -> memref<1x!tpu.dma_semaphore, #tpu.memory_space<semaphore_mem>>
        %dma_wait3A_371 = tpu.memref_squeeze %dma_wait3A_370 : memref<1x!tpu.dma_semaphore, #tpu.memory_space<semaphore_mem>> -> memref<!tpu.dma_semaphore, #tpu.memory_space<semaphore_mem>>
        %dma_wait3A_372 = arith.constant 0 : i32
        %dma_wait3A_373 = arith.constant 0 : i32
        %dma_wait3A_374 = tpu.memref_slice %arg5[%dma_wait3A_372, %dma_wait3A_373] : memref<819200x128xf32, #tpu.memory_space<hbm>> -> memref<128x64xf32, #tpu.memory_space<hbm>>
        tpu.wait_dma2 semaphore(%dma_wait3A_371 : memref<!tpu.dma_semaphore, #tpu.memory_space<semaphore_mem>>) src(%arg10 : memref<128x64xf32, #tpu.memory_space<vmem>>) dst(%dma_wait3A_374 : memref<128x64xf32, #tpu.memory_space<hbm>>)
        %dma_wait3A_375 = arith.constant 2 : i32
        %dma_wait3A_376 = arith.constant 0 : i32
        %dma_wait3A_377 = arith.constant 64 : i32
        %dma_wait3A_378 = tpu.memref_slice %arg5[%dma_wait3A_376, %dma_wait3A_377] : memref<819200x128xf32, #tpu.memory_space<hbm>> -> memref<128x64xf32, #tpu.memory_space<hbm>>
        %dma_wait3A_379 = tpu.memref_slice %arg19[%dma_wait3A_375] : memref<4x!tpu.dma_semaphore, #tpu.memory_space<semaphore_mem>> -> memref<1x!tpu.dma_semaphore, #tpu.memory_space<semaphore_mem>>
        %dma_wait3A_380 = tpu.memref_squeeze %dma_wait3A_379 : memref<1x!tpu.dma_semaphore, #tpu.memory_space<semaphore_mem>> -> memref<!tpu.dma_semaphore, #tpu.memory_space<semaphore_mem>>
        %dma_wait3A_381 = arith.constant 0 : i32
        %dma_wait3A_382 = arith.constant 64 : i32
        %dma_wait3A_383 = tpu.memref_slice %arg5[%dma_wait3A_381, %dma_wait3A_382] : memref<819200x128xf32, #tpu.memory_space<hbm>> -> memref<128x64xf32, #tpu.memory_space<hbm>>
        tpu.wait_dma2 semaphore(%dma_wait3A_380 : memref<!tpu.dma_semaphore, #tpu.memory_space<semaphore_mem>>) src(%arg14 : memref<128x64xf32, #tpu.memory_space<vmem>>) dst(%dma_wait3A_383 : memref<128x64xf32, #tpu.memory_space<hbm>>)
        %dma_wait3A_384 = arith.constant 3 : i32
        %dma_wait3A_385 = arith.constant 0 : i32
        %dma_wait3A_386 = arith.constant 0 : i32
        %dma_wait3A_387 = tpu.memref_slice %arg5[%dma_wait3A_385, %dma_wait3A_386] : memref<819200x128xf32, #tpu.memory_space<hbm>> -> memref<128x64xf32, #tpu.memory_space<hbm>>
        %dma_wait3A_388 = tpu.memref_slice %arg18[%dma_wait3A_384] : memref<4x!tpu.dma_semaphore, #tpu.memory_space<semaphore_mem>> -> memref<1x!tpu.dma_semaphore, #tpu.memory_space<semaphore_mem>>
        %dma_wait3A_389 = tpu.memref_squeeze %dma_wait3A_388 : memref<1x!tpu.dma_semaphore, #tpu.memory_space<semaphore_mem>> -> memref<!tpu.dma_semaphore, #tpu.memory_space<semaphore_mem>>
        %dma_wait3A_390 = arith.constant 0 : i32
        %dma_wait3A_391 = arith.constant 0 : i32
        %dma_wait3A_392 = tpu.memref_slice %arg5[%dma_wait3A_390, %dma_wait3A_391] : memref<819200x128xf32, #tpu.memory_space<hbm>> -> memref<128x64xf32, #tpu.memory_space<hbm>>
        tpu.wait_dma2 semaphore(%dma_wait3A_389 : memref<!tpu.dma_semaphore, #tpu.memory_space<semaphore_mem>>) src(%arg11 : memref<128x64xf32, #tpu.memory_space<vmem>>) dst(%dma_wait3A_392 : memref<128x64xf32, #tpu.memory_space<hbm>>)
        %dma_wait3A_393 = arith.constant 3 : i32
        %dma_wait3A_394 = arith.constant 0 : i32
        %dma_wait3A_395 = arith.constant 64 : i32
        %dma_wait3A_396 = tpu.memref_slice %arg5[%dma_wait3A_394, %dma_wait3A_395] : memref<819200x128xf32, #tpu.memory_space<hbm>> -> memref<128x64xf32, #tpu.memory_space<hbm>>
        %dma_wait3A_397 = tpu.memref_slice %arg19[%dma_wait3A_393] : memref<4x!tpu.dma_semaphore, #tpu.memory_space<semaphore_mem>> -> memref<1x!tpu.dma_semaphore, #tpu.memory_space<semaphore_mem>>
        %dma_wait3A_398 = tpu.memref_squeeze %dma_wait3A_397 : memref<1x!tpu.dma_semaphore, #tpu.memory_space<semaphore_mem>> -> memref<!tpu.dma_semaphore, #tpu.memory_space<semaphore_mem>>
        %dma_wait3A_399 = arith.constant 0 : i32
        %dma_wait3A_400 = arith.constant 64 : i32
        %dma_wait3A_401 = tpu.memref_slice %arg5[%dma_wait3A_399, %dma_wait3A_400] : memref<819200x128xf32, #tpu.memory_space<hbm>> -> memref<128x64xf32, #tpu.memory_space<hbm>>
        tpu.wait_dma2 semaphore(%dma_wait3A_398 : memref<!tpu.dma_semaphore, #tpu.memory_space<semaphore_mem>>) src(%arg15 : memref<128x64xf32, #tpu.memory_space<vmem>>) dst(%dma_wait3A_401 : memref<128x64xf32, #tpu.memory_space<hbm>>)
      } else {
      }
      %mul3A_87 = arith.constant 4 : i32
      %mul3A_88 = arith.muli %scan3A_84, %mul3A_87 : i32
      %add3A_89 = arith.constant 0 : i32
      %add3A_90 = arith.addi %mul3A_88, %add3A_89 : i32
      %dma_start3A = arith.constant 0 : i32
      %dma_start3A_91 = arith.constant 0 : i32
      %dma_start3A_92 = tpu.memref_slice %arg6[%add3A_90, %dma_start3A_91] : memref<200x128xi32, #tpu.memory_space<vmem>> -> memref<1x128xi32, #tpu.memory_space<vmem>>
      %dma_start3A_93 = tpu.memref_squeeze %dma_start3A_92 : memref<1x128xi32, #tpu.memory_space<vmem>> -> memref<128xi32, #tpu.memory_space<vmem>>
      %dma_start3A_94 = arith.constant 0 : i32
      %dma_start3A_95 = arith.constant 0 : i32
      %dma_start3A_96 = tpu.memref_slice %arg3[%dma_start3A_94, %dma_start3A_95] : memref<1000x64xf32, #tpu.memory_space<hbm>> -> memref<1000x64xf32, #tpu.memory_space<hbm>>
      %dma_start3A_97 = tpu.memref_slice %arg16[%dma_start3A] : memref<4x!tpu.dma_semaphore, #tpu.memory_space<semaphore_mem>> -> memref<1x!tpu.dma_semaphore, #tpu.memory_space<semaphore_mem>>
      %dma_start3A_98 = tpu.memref_squeeze %dma_start3A_97 : memref<1x!tpu.dma_semaphore, #tpu.memory_space<semaphore_mem>> -> memref<!tpu.dma_semaphore, #tpu.memory_space<semaphore_mem>>
      tpu.enqueue_indirect_dma source(%dma_start3A_96 : memref<1000x64xf32, #tpu.memory_space<hbm>>) target(%arg8 : memref<128x64xf32, #tpu.memory_space<vmem>>) offsets(%dma_start3A_93 : memref<128xi32, #tpu.memory_space<vmem>>) semaphore(%dma_start3A_98 : memref<!tpu.dma_semaphore, #tpu.memory_space<semaphore_mem>>)
      %dma_start3A_99 = arith.constant 0 : i32
      %dma_start3A_100 = arith.constant 0 : i32
      %dma_start3A_101 = tpu.memref_slice %arg7[%add3A_90, %dma_start3A_100] : memref<200x128xi32, #tpu.memory_space<vmem>> -> memref<1x128xi32, #tpu.memory_space<vmem>>
      %dma_start3A_102 = tpu.memref_squeeze %dma_start3A_101 : memref<1x128xi32, #tpu.memory_space<vmem>> -> memref<128xi32, #tpu.memory_space<vmem>>
      %dma_start3A_103 = arith.constant 0 : i32
      %dma_start3A_104 = arith.constant 0 : i32
      %dma_start3A_105 = tpu.memref_slice %arg4[%dma_start3A_103, %dma_start3A_104] : memref<100000x64xf32, #tpu.memory_space<hbm>> -> memref<100000x64xf32, #tpu.memory_space<hbm>>
      %dma_start3A_106 = tpu.memref_slice %arg17[%dma_start3A_99] : memref<4x!tpu.dma_semaphore, #tpu.memory_space<semaphore_mem>> -> memref<1x!tpu.dma_semaphore, #tpu.memory_space<semaphore_mem>>
      %dma_start3A_107 = tpu.memref_squeeze %dma_start3A_106 : memref<1x!tpu.dma_semaphore, #tpu.memory_space<semaphore_mem>> -> memref<!tpu.dma_semaphore, #tpu.memory_space<semaphore_mem>>
      tpu.enqueue_indirect_dma source(%dma_start3A_105 : memref<100000x64xf32, #tpu.memory_space<hbm>>) target(%arg12 : memref<128x64xf32, #tpu.memory_space<vmem>>) offsets(%dma_start3A_102 : memref<128xi32, #tpu.memory_space<vmem>>) semaphore(%dma_start3A_107 : memref<!tpu.dma_semaphore, #tpu.memory_space<semaphore_mem>>)
      %mul3A_108 = arith.constant 4 : i32
      %mul3A_109 = arith.muli %scan3A_84, %mul3A_108 : i32
      %add3A_110 = arith.constant 1 : i32
      %add3A_111 = arith.addi %mul3A_109, %add3A_110 : i32
      %dma_start3A_112 = arith.constant 1 : i32
      %dma_start3A_113 = arith.constant 0 : i32
      %dma_start3A_114 = tpu.memref_slice %arg6[%add3A_111, %dma_start3A_113] : memref<200x128xi32, #tpu.memory_space<vmem>> -> memref<1x128xi32, #tpu.memory_space<vmem>>
      %dma_start3A_115 = tpu.memref_squeeze %dma_start3A_114 : memref<1x128xi32, #tpu.memory_space<vmem>> -> memref<128xi32, #tpu.memory_space<vmem>>
      %dma_start3A_116 = arith.constant 0 : i32
      %dma_start3A_117 = arith.constant 0 : i32
      %dma_start3A_118 = tpu.memref_slice %arg3[%dma_start3A_116, %dma_start3A_117] : memref<1000x64xf32, #tpu.memory_space<hbm>> -> memref<1000x64xf32, #tpu.memory_space<hbm>>
      %dma_start3A_119 = tpu.memref_slice %arg16[%dma_start3A_112] : memref<4x!tpu.dma_semaphore, #tpu.memory_space<semaphore_mem>> -> memref<1x!tpu.dma_semaphore, #tpu.memory_space<semaphore_mem>>
      %dma_start3A_120 = tpu.memref_squeeze %dma_start3A_119 : memref<1x!tpu.dma_semaphore, #tpu.memory_space<semaphore_mem>> -> memref<!tpu.dma_semaphore, #tpu.memory_space<semaphore_mem>>
      tpu.enqueue_indirect_dma source(%dma_start3A_118 : memref<1000x64xf32, #tpu.memory_space<hbm>>) target(%arg9 : memref<128x64xf32, #tpu.memory_space<vmem>>) offsets(%dma_start3A_115 : memref<128xi32, #tpu.memory_space<vmem>>) semaphore(%dma_start3A_120 : memref<!tpu.dma_semaphore, #tpu.memory_space<semaphore_mem>>)
      %dma_start3A_121 = arith.constant 1 : i32
      %dma_start3A_122 = arith.constant 0 : i32
      %dma_start3A_123 = tpu.memref_slice %arg7[%add3A_111, %dma_start3A_122] : memref<200x128xi32, #tpu.memory_space<vmem>> -> memref<1x128xi32, #tpu.memory_space<vmem>>
      %dma_start3A_124 = tpu.memref_squeeze %dma_start3A_123 : memref<1x128xi32, #tpu.memory_space<vmem>> -> memref<128xi32, #tpu.memory_space<vmem>>
      %dma_start3A_125 = arith.constant 0 : i32
      %dma_start3A_126 = arith.constant 0 : i32
      %dma_start3A_127 = tpu.memref_slice %arg4[%dma_start3A_125, %dma_start3A_126] : memref<100000x64xf32, #tpu.memory_space<hbm>> -> memref<100000x64xf32, #tpu.memory_space<hbm>>
      %dma_start3A_128 = tpu.memref_slice %arg17[%dma_start3A_121] : memref<4x!tpu.dma_semaphore, #tpu.memory_space<semaphore_mem>> -> memref<1x!tpu.dma_semaphore, #tpu.memory_space<semaphore_mem>>
      %dma_start3A_129 = tpu.memref_squeeze %dma_start3A_128 : memref<1x!tpu.dma_semaphore, #tpu.memory_space<semaphore_mem>> -> memref<!tpu.dma_semaphore, #tpu.memory_space<semaphore_mem>>
      tpu.enqueue_indirect_dma source(%dma_start3A_127 : memref<100000x64xf32, #tpu.memory_space<hbm>>) target(%arg13 : memref<128x64xf32, #tpu.memory_space<vmem>>) offsets(%dma_start3A_124 : memref<128xi32, #tpu.memory_space<vmem>>) semaphore(%dma_start3A_129 : memref<!tpu.dma_semaphore, #tpu.memory_space<semaphore_mem>>)
      %mul3A_130 = arith.constant 4 : i32
      %mul3A_131 = arith.muli %scan3A_84, %mul3A_130 : i32
      %add3A_132 = arith.constant 2 : i32
      %add3A_133 = arith.addi %mul3A_131, %add3A_132 : i32
      %dma_start3A_134 = arith.constant 2 : i32
      %dma_start3A_135 = arith.constant 0 : i32
      %dma_start3A_136 = tpu.memref_slice %arg6[%add3A_133, %dma_start3A_135] : memref<200x128xi32, #tpu.memory_space<vmem>> -> memref<1x128xi32, #tpu.memory_space<vmem>>
      %dma_start3A_137 = tpu.memref_squeeze %dma_start3A_136 : memref<1x128xi32, #tpu.memory_space<vmem>> -> memref<128xi32, #tpu.memory_space<vmem>>
      %dma_start3A_138 = arith.constant 0 : i32
      %dma_start3A_139 = arith.constant 0 : i32
      %dma_start3A_140 = tpu.memref_slice %arg3[%dma_start3A_138, %dma_start3A_139] : memref<1000x64xf32, #tpu.memory_space<hbm>> -> memref<1000x64xf32, #tpu.memory_space<hbm>>
      %dma_start3A_141 = tpu.memref_slice %arg16[%dma_start3A_134] : memref<4x!tpu.dma_semaphore, #tpu.memory_space<semaphore_mem>> -> memref<1x!tpu.dma_semaphore, #tpu.memory_space<semaphore_mem>>
      %dma_start3A_142 = tpu.memref_squeeze %dma_start3A_141 : memref<1x!tpu.dma_semaphore, #tpu.memory_space<semaphore_mem>> -> memref<!tpu.dma_semaphore, #tpu.memory_space<semaphore_mem>>
      tpu.enqueue_indirect_dma source(%dma_start3A_140 : memref<1000x64xf32, #tpu.memory_space<hbm>>) target(%arg10 : memref<128x64xf32, #tpu.memory_space<vmem>>) offsets(%dma_start3A_137 : memref<128xi32, #tpu.memory_space<vmem>>) semaphore(%dma_start3A_142 : memref<!tpu.dma_semaphore, #tpu.memory_space<semaphore_mem>>)
      %dma_start3A_143 = arith.constant 2 : i32
      %dma_start3A_144 = arith.constant 0 : i32
      %dma_start3A_145 = tpu.memref_slice %arg7[%add3A_133, %dma_start3A_144] : memref<200x128xi32, #tpu.memory_space<vmem>> -> memref<1x128xi32, #tpu.memory_space<vmem>>
      %dma_start3A_146 = tpu.memref_squeeze %dma_start3A_145 : memref<1x128xi32, #tpu.memory_space<vmem>> -> memref<128xi32, #tpu.memory_space<vmem>>
      %dma_start3A_147 = arith.constant 0 : i32
      %dma_start3A_148 = arith.constant 0 : i32
      %dma_start3A_149 = tpu.memref_slice %arg4[%dma_start3A_147, %dma_start3A_148] : memref<100000x64xf32, #tpu.memory_space<hbm>> -> memref<100000x64xf32, #tpu.memory_space<hbm>>
      %dma_start3A_150 = tpu.memref_slice %arg17[%dma_start3A_143] : memref<4x!tpu.dma_semaphore, #tpu.memory_space<semaphore_mem>> -> memref<1x!tpu.dma_semaphore, #tpu.memory_space<semaphore_mem>>
      %dma_start3A_151 = tpu.memref_squeeze %dma_start3A_150 : memref<1x!tpu.dma_semaphore, #tpu.memory_space<semaphore_mem>> -> memref<!tpu.dma_semaphore, #tpu.memory_space<semaphore_mem>>
      tpu.enqueue_indirect_dma source(%dma_start3A_149 : memref<100000x64xf32, #tpu.memory_space<hbm>>) target(%arg14 : memref<128x64xf32, #tpu.memory_space<vmem>>) offsets(%dma_start3A_146 : memref<128xi32, #tpu.memory_space<vmem>>) semaphore(%dma_start3A_151 : memref<!tpu.dma_semaphore, #tpu.memory_space<semaphore_mem>>)
      %mul3A_152 = arith.constant 4 : i32
      %mul3A_153 = arith.muli %scan3A_84, %mul3A_152 : i32
      %add3A_154 = arith.constant 3 : i32
      %add3A_155 = arith.addi %mul3A_153, %add3A_154 : i32
      %dma_start3A_156 = arith.constant 3 : i32
      %dma_start3A_157 = arith.constant 0 : i32
      %dma_start3A_158 = tpu.memref_slice %arg6[%add3A_155, %dma_start3A_157] : memref<200x128xi32, #tpu.memory_space<vmem>> -> memref<1x128xi32, #tpu.memory_space<vmem>>
      %dma_start3A_159 = tpu.memref_squeeze %dma_start3A_158 : memref<1x128xi32, #tpu.memory_space<vmem>> -> memref<128xi32, #tpu.memory_space<vmem>>
      %dma_start3A_160 = arith.constant 0 : i32
      %dma_start3A_161 = arith.constant 0 : i32
      %dma_start3A_162 = tpu.memref_slice %arg3[%dma_start3A_160, %dma_start3A_161] : memref<1000x64xf32, #tpu.memory_space<hbm>> -> memref<1000x64xf32, #tpu.memory_space<hbm>>
      %dma_start3A_163 = tpu.memref_slice %arg16[%dma_start3A_156] : memref<4x!tpu.dma_semaphore, #tpu.memory_space<semaphore_mem>> -> memref<1x!tpu.dma_semaphore, #tpu.memory_space<semaphore_mem>>
      %dma_start3A_164 = tpu.memref_squeeze %dma_start3A_163 : memref<1x!tpu.dma_semaphore, #tpu.memory_space<semaphore_mem>> -> memref<!tpu.dma_semaphore, #tpu.memory_space<semaphore_mem>>
      tpu.enqueue_indirect_dma source(%dma_start3A_162 : memref<1000x64xf32, #tpu.memory_space<hbm>>) target(%arg11 : memref<128x64xf32, #tpu.memory_space<vmem>>) offsets(%dma_start3A_159 : memref<128xi32, #tpu.memory_space<vmem>>) semaphore(%dma_start3A_164 : memref<!tpu.dma_semaphore, #tpu.memory_space<semaphore_mem>>)
      %dma_start3A_165 = arith.constant 3 : i32
      %dma_start3A_166 = arith.constant 0 : i32
      %dma_start3A_167 = tpu.memref_slice %arg7[%add3A_155, %dma_start3A_166] : memref<200x128xi32, #tpu.memory_space<vmem>> -> memref<1x128xi32, #tpu.memory_space<vmem>>
      %dma_start3A_168 = tpu.memref_squeeze %dma_start3A_167 : memref<1x128xi32, #tpu.memory_space<vmem>> -> memref<128xi32, #tpu.memory_space<vmem>>
      %dma_start3A_169 = arith.constant 0 : i32
      %dma_start3A_170 = arith.constant 0 : i32
      %dma_start3A_171 = tpu.memref_slice %arg4[%dma_start3A_169, %dma_start3A_170] : memref<100000x64xf32, #tpu.memory_space<hbm>> -> memref<100000x64xf32, #tpu.memory_space<hbm>>
      %dma_start3A_172 = tpu.memref_slice %arg17[%dma_start3A_165] : memref<4x!tpu.dma_semaphore, #tpu.memory_space<semaphore_mem>> -> memref<1x!tpu.dma_semaphore, #tpu.memory_space<semaphore_mem>>
      %dma_start3A_173 = tpu.memref_squeeze %dma_start3A_172 : memref<1x!tpu.dma_semaphore, #tpu.memory_space<semaphore_mem>> -> memref<!tpu.dma_semaphore, #tpu.memory_space<semaphore_mem>>
      tpu.enqueue_indirect_dma source(%dma_start3A_171 : memref<100000x64xf32, #tpu.memory_space<hbm>>) target(%arg15 : memref<128x64xf32, #tpu.memory_space<vmem>>) offsets(%dma_start3A_168 : memref<128xi32, #tpu.memory_space<vmem>>) semaphore(%dma_start3A_173 : memref<!tpu.dma_semaphore, #tpu.memory_space<semaphore_mem>>)
      %mul3A_174 = arith.constant 4 : i32
      %mul3A_175 = arith.muli %scan3A_84, %mul3A_174 : i32
      %add3A_176 = arith.constant 0 : i32
      %add3A_177 = arith.addi %mul3A_175, %add3A_176 : i32
      %mul3A_178 = arith.constant 128 : i32
      %mul3A_179 = arith.muli %add3A_177, %mul3A_178 : i32
      %add3A_180 = arith.addi %mul3A_2, %mul3A_179 : i32
      %dma_wait3A_181 = arith.constant 0 : i32
      %dma_wait3A_182 = arith.constant 0 : i32
      %dma_wait3A_183 = tpu.memref_slice %arg6[%add3A_90, %dma_wait3A_182] : memref<200x128xi32, #tpu.memory_space<vmem>> -> memref<1x128xi32, #tpu.memory_space<vmem>>
      %dma_wait3A_184 = tpu.memref_squeeze %dma_wait3A_183 : memref<1x128xi32, #tpu.memory_space<vmem>> -> memref<128xi32, #tpu.memory_space<vmem>>
      %dma_wait3A_185 = arith.constant 0 : i32
      %dma_wait3A_186 = arith.constant 0 : i32
      %dma_wait3A_187 = tpu.memref_slice %arg3[%dma_wait3A_185, %dma_wait3A_186] : memref<1000x64xf32, #tpu.memory_space<hbm>> -> memref<1000x64xf32, #tpu.memory_space<hbm>>
      %dma_wait3A_188 = tpu.memref_slice %arg16[%dma_wait3A_181] : memref<4x!tpu.dma_semaphore, #tpu.memory_space<semaphore_mem>> -> memref<1x!tpu.dma_semaphore, #tpu.memory_space<semaphore_mem>>
      %dma_wait3A_189 = tpu.memref_squeeze %dma_wait3A_188 : memref<1x!tpu.dma_semaphore, #tpu.memory_space<semaphore_mem>> -> memref<!tpu.dma_semaphore, #tpu.memory_space<semaphore_mem>>
      tpu.wait_indirect_dma semaphore(%dma_wait3A_189 : memref<!tpu.dma_semaphore, #tpu.memory_space<semaphore_mem>>) src(%dma_wait3A_187 : memref<1000x64xf32, #tpu.memory_space<hbm>>) dst(%arg8 : memref<128x64xf32, #tpu.memory_space<vmem>>)
      %dma_wait3A_190 = arith.constant 0 : i32
      %dma_wait3A_191 = arith.constant 0 : i32
      %dma_wait3A_192 = tpu.memref_slice %arg7[%add3A_90, %dma_wait3A_191] : memref<200x128xi32, #tpu.memory_space<vmem>> -> memref<1x128xi32, #tpu.memory_space<vmem>>
      %dma_wait3A_193 = tpu.memref_squeeze %dma_wait3A_192 : memref<1x128xi32, #tpu.memory_space<vmem>> -> memref<128xi32, #tpu.memory_space<vmem>>
      %dma_wait3A_194 = arith.constant 0 : i32
      %dma_wait3A_195 = arith.constant 0 : i32
      %dma_wait3A_196 = tpu.memref_slice %arg4[%dma_wait3A_194, %dma_wait3A_195] : memref<100000x64xf32, #tpu.memory_space<hbm>> -> memref<100000x64xf32, #tpu.memory_space<hbm>>
      %dma_wait3A_197 = tpu.memref_slice %arg17[%dma_wait3A_190] : memref<4x!tpu.dma_semaphore, #tpu.memory_space<semaphore_mem>> -> memref<1x!tpu.dma_semaphore, #tpu.memory_space<semaphore_mem>>
      %dma_wait3A_198 = tpu.memref_squeeze %dma_wait3A_197 : memref<1x!tpu.dma_semaphore, #tpu.memory_space<semaphore_mem>> -> memref<!tpu.dma_semaphore, #tpu.memory_space<semaphore_mem>>
      tpu.wait_indirect_dma semaphore(%dma_wait3A_198 : memref<!tpu.dma_semaphore, #tpu.memory_space<semaphore_mem>>) src(%dma_wait3A_196 : memref<100000x64xf32, #tpu.memory_space<hbm>>) dst(%arg12 : memref<128x64xf32, #tpu.memory_space<vmem>>)
      %dma_start3A_199 = arith.constant 0 : i32
      %dma_start3A_200 = arith.constant 0 : i32
      %dma_start3A_201 = tpu.memref_slice %arg5[%add3A_180, %dma_start3A_200] : memref<819200x128xf32, #tpu.memory_space<hbm>> -> memref<128x64xf32, #tpu.memory_space<hbm>>
      %dma_start3A_202 = tpu.memref_slice %arg18[%dma_start3A_199] : memref<4x!tpu.dma_semaphore, #tpu.memory_space<semaphore_mem>> -> memref<1x!tpu.dma_semaphore, #tpu.memory_space<semaphore_mem>>
      %dma_start3A_203 = tpu.memref_squeeze %dma_start3A_202 : memref<1x!tpu.dma_semaphore, #tpu.memory_space<semaphore_mem>> -> memref<!tpu.dma_semaphore, #tpu.memory_space<semaphore_mem>>
      %dma_start3A_204 = arith.constant 0 : i32
      %dma_start3A_205 = tpu.memref_slice %arg5[%add3A_180, %dma_start3A_204] : memref<819200x128xf32, #tpu.memory_space<hbm>> -> memref<128x64xf32, #tpu.memory_space<hbm>>
      tpu.enqueue_dma source(%arg8 : memref<128x64xf32, #tpu.memory_space<vmem>>) target(%dma_start3A_205 : memref<128x64xf32, #tpu.memory_space<hbm>>) target_semaphore(%dma_start3A_203 : memref<!tpu.dma_semaphore, #tpu.memory_space<semaphore_mem>>)
      %dma_start3A_206 = arith.constant 0 : i32
      %dma_start3A_207 = arith.constant 64 : i32
      %dma_start3A_208 = tpu.memref_slice %arg5[%add3A_180, %dma_start3A_207] : memref<819200x128xf32, #tpu.memory_space<hbm>> -> memref<128x64xf32, #tpu.memory_space<hbm>>
      %dma_start3A_209 = tpu.memref_slice %arg19[%dma_start3A_206] : memref<4x!tpu.dma_semaphore, #tpu.memory_space<semaphore_mem>> -> memref<1x!tpu.dma_semaphore, #tpu.memory_space<semaphore_mem>>
      %dma_start3A_210 = tpu.memref_squeeze %dma_start3A_209 : memref<1x!tpu.dma_semaphore, #tpu.memory_space<semaphore_mem>> -> memref<!tpu.dma_semaphore, #tpu.memory_space<semaphore_mem>>
      %dma_start3A_211 = arith.constant 64 : i32
      %dma_start3A_212 = tpu.memref_slice %arg5[%add3A_180, %dma_start3A_211] : memref<819200x128xf32, #tpu.memory_space<hbm>> -> memref<128x64xf32, #tpu.memory_space<hbm>>
      tpu.enqueue_dma source(%arg12 : memref<128x64xf32, #tpu.memory_space<vmem>>) target(%dma_start3A_212 : memref<128x64xf32, #tpu.memory_space<hbm>>) target_semaphore(%dma_start3A_210 : memref<!tpu.dma_semaphore, #tpu.memory_space<semaphore_mem>>)
      %mul3A_213 = arith.constant 4 : i32
      %mul3A_214 = arith.muli %scan3A_84, %mul3A_213 : i32
      %add3A_215 = arith.constant 1 : i32
      %add3A_216 = arith.addi %mul3A_214, %add3A_215 : i32
      %mul3A_217 = arith.constant 128 : i32
      %mul3A_218 = arith.muli %add3A_216, %mul3A_217 : i32
      %add3A_219 = arith.addi %mul3A_2, %mul3A_218 : i32
      %dma_wait3A_220 = arith.constant 1 : i32
      %dma_wait3A_221 = arith.constant 0 : i32
      %dma_wait3A_222 = tpu.memref_slice %arg6[%add3A_111, %dma_wait3A_221] : memref<200x128xi32, #tpu.memory_space<vmem>> -> memref<1x128xi32, #tpu.memory_space<vmem>>
      %dma_wait3A_223 = tpu.memref_squeeze %dma_wait3A_222 : memref<1x128xi32, #tpu.memory_space<vmem>> -> memref<128xi32, #tpu.memory_space<vmem>>
      %dma_wait3A_224 = arith.constant 0 : i32
      %dma_wait3A_225 = arith.constant 0 : i32
      %dma_wait3A_226 = tpu.memref_slice %arg3[%dma_wait3A_224, %dma_wait3A_225] : memref<1000x64xf32, #tpu.memory_space<hbm>> -> memref<1000x64xf32, #tpu.memory_space<hbm>>
      %dma_wait3A_227 = tpu.memref_slice %arg16[%dma_wait3A_220] : memref<4x!tpu.dma_semaphore, #tpu.memory_space<semaphore_mem>> -> memref<1x!tpu.dma_semaphore, #tpu.memory_space<semaphore_mem>>
      %dma_wait3A_228 = tpu.memref_squeeze %dma_wait3A_227 : memref<1x!tpu.dma_semaphore, #tpu.memory_space<semaphore_mem>> -> memref<!tpu.dma_semaphore, #tpu.memory_space<semaphore_mem>>
      tpu.wait_indirect_dma semaphore(%dma_wait3A_228 : memref<!tpu.dma_semaphore, #tpu.memory_space<semaphore_mem>>) src(%dma_wait3A_226 : memref<1000x64xf32, #tpu.memory_space<hbm>>) dst(%arg9 : memref<128x64xf32, #tpu.memory_space<vmem>>)
      %dma_wait3A_229 = arith.constant 1 : i32
      %dma_wait3A_230 = arith.constant 0 : i32
      %dma_wait3A_231 = tpu.memref_slice %arg7[%add3A_111, %dma_wait3A_230] : memref<200x128xi32, #tpu.memory_space<vmem>> -> memref<1x128xi32, #tpu.memory_space<vmem>>
      %dma_wait3A_232 = tpu.memref_squeeze %dma_wait3A_231 : memref<1x128xi32, #tpu.memory_space<vmem>> -> memref<128xi32, #tpu.memory_space<vmem>>
      %dma_wait3A_233 = arith.constant 0 : i32
      %dma_wait3A_234 = arith.constant 0 : i32
      %dma_wait3A_235 = tpu.memref_slice %arg4[%dma_wait3A_233, %dma_wait3A_234] : memref<100000x64xf32, #tpu.memory_space<hbm>> -> memref<100000x64xf32, #tpu.memory_space<hbm>>
      %dma_wait3A_236 = tpu.memref_slice %arg17[%dma_wait3A_229] : memref<4x!tpu.dma_semaphore, #tpu.memory_space<semaphore_mem>> -> memref<1x!tpu.dma_semaphore, #tpu.memory_space<semaphore_mem>>
      %dma_wait3A_237 = tpu.memref_squeeze %dma_wait3A_236 : memref<1x!tpu.dma_semaphore, #tpu.memory_space<semaphore_mem>> -> memref<!tpu.dma_semaphore, #tpu.memory_space<semaphore_mem>>
      tpu.wait_indirect_dma semaphore(%dma_wait3A_237 : memref<!tpu.dma_semaphore, #tpu.memory_space<semaphore_mem>>) src(%dma_wait3A_235 : memref<100000x64xf32, #tpu.memory_space<hbm>>) dst(%arg13 : memref<128x64xf32, #tpu.memory_space<vmem>>)
      %dma_start3A_238 = arith.constant 1 : i32
      %dma_start3A_239 = arith.constant 0 : i32
      %dma_start3A_240 = tpu.memref_slice %arg5[%add3A_219, %dma_start3A_239] : memref<819200x128xf32, #tpu.memory_space<hbm>> -> memref<128x64xf32, #tpu.memory_space<hbm>>
      %dma_start3A_241 = tpu.memref_slice %arg18[%dma_start3A_238] : memref<4x!tpu.dma_semaphore, #tpu.memory_space<semaphore_mem>> -> memref<1x!tpu.dma_semaphore, #tpu.memory_space<semaphore_mem>>
      %dma_start3A_242 = tpu.memref_squeeze %dma_start3A_241 : memref<1x!tpu.dma_semaphore, #tpu.memory_space<semaphore_mem>> -> memref<!tpu.dma_semaphore, #tpu.memory_space<semaphore_mem>>
      %dma_start3A_243 = arith.constant 0 : i32
      %dma_start3A_244 = tpu.memref_slice %arg5[%add3A_219, %dma_start3A_243] : memref<819200x128xf32, #tpu.memory_space<hbm>> -> memref<128x64xf32, #tpu.memory_space<hbm>>
      tpu.enqueue_dma source(%arg9 : memref<128x64xf32, #tpu.memory_space<vmem>>) target(%dma_start3A_244 : memref<128x64xf32, #tpu.memory_space<hbm>>) target_semaphore(%dma_start3A_242 : memref<!tpu.dma_semaphore, #tpu.memory_space<semaphore_mem>>)
      %dma_start3A_245 = arith.constant 1 : i32
      %dma_start3A_246 = arith.constant 64 : i32
      %dma_start3A_247 = tpu.memref_slice %arg5[%add3A_219, %dma_start3A_246] : memref<819200x128xf32, #tpu.memory_space<hbm>> -> memref<128x64xf32, #tpu.memory_space<hbm>>
      %dma_start3A_248 = tpu.memref_slice %arg19[%dma_start3A_245] : memref<4x!tpu.dma_semaphore, #tpu.memory_space<semaphore_mem>> -> memref<1x!tpu.dma_semaphore, #tpu.memory_space<semaphore_mem>>
      %dma_start3A_249 = tpu.memref_squeeze %dma_start3A_248 : memref<1x!tpu.dma_semaphore, #tpu.memory_space<semaphore_mem>> -> memref<!tpu.dma_semaphore, #tpu.memory_space<semaphore_mem>>
      %dma_start3A_250 = arith.constant 64 : i32
      %dma_start3A_251 = tpu.memref_slice %arg5[%add3A_219, %dma_start3A_250] : memref<819200x128xf32, #tpu.memory_space<hbm>> -> memref<128x64xf32, #tpu.memory_space<hbm>>
      tpu.enqueue_dma source(%arg13 : memref<128x64xf32, #tpu.memory_space<vmem>>) target(%dma_start3A_251 : memref<128x64xf32, #tpu.memory_space<hbm>>) target_semaphore(%dma_start3A_249 : memref<!tpu.dma_semaphore, #tpu.memory_space<semaphore_mem>>)
      %mul3A_252 = arith.constant 4 : i32
      %mul3A_253 = arith.muli %scan3A_84, %mul3A_252 : i32
      %add3A_254 = arith.constant 2 : i32
      %add3A_255 = arith.addi %mul3A_253, %add3A_254 : i32
      %mul3A_256 = arith.constant 128 : i32
      %mul3A_257 = arith.muli %add3A_255, %mul3A_256 : i32
      %add3A_258 = arith.addi %mul3A_2, %mul3A_257 : i32
      %dma_wait3A_259 = arith.constant 2 : i32
      %dma_wait3A_260 = arith.constant 0 : i32
      %dma_wait3A_261 = tpu.memref_slice %arg6[%add3A_133, %dma_wait3A_260] : memref<200x128xi32, #tpu.memory_space<vmem>> -> memref<1x128xi32, #tpu.memory_space<vmem>>
      %dma_wait3A_262 = tpu.memref_squeeze %dma_wait3A_261 : memref<1x128xi32, #tpu.memory_space<vmem>> -> memref<128xi32, #tpu.memory_space<vmem>>
      %dma_wait3A_263 = arith.constant 0 : i32
      %dma_wait3A_264 = arith.constant 0 : i32
      %dma_wait3A_265 = tpu.memref_slice %arg3[%dma_wait3A_263, %dma_wait3A_264] : memref<1000x64xf32, #tpu.memory_space<hbm>> -> memref<1000x64xf32, #tpu.memory_space<hbm>>
      %dma_wait3A_266 = tpu.memref_slice %arg16[%dma_wait3A_259] : memref<4x!tpu.dma_semaphore, #tpu.memory_space<semaphore_mem>> -> memref<1x!tpu.dma_semaphore, #tpu.memory_space<semaphore_mem>>
      %dma_wait3A_267 = tpu.memref_squeeze %dma_wait3A_266 : memref<1x!tpu.dma_semaphore, #tpu.memory_space<semaphore_mem>> -> memref<!tpu.dma_semaphore, #tpu.memory_space<semaphore_mem>>
      tpu.wait_indirect_dma semaphore(%dma_wait3A_267 : memref<!tpu.dma_semaphore, #tpu.memory_space<semaphore_mem>>) src(%dma_wait3A_265 : memref<1000x64xf32, #tpu.memory_space<hbm>>) dst(%arg10 : memref<128x64xf32, #tpu.memory_space<vmem>>)
      %dma_wait3A_268 = arith.constant 2 : i32
      %dma_wait3A_269 = arith.constant 0 : i32
      %dma_wait3A_270 = tpu.memref_slice %arg7[%add3A_133, %dma_wait3A_269] : memref<200x128xi32, #tpu.memory_space<vmem>> -> memref<1x128xi32, #tpu.memory_space<vmem>>
      %dma_wait3A_271 = tpu.memref_squeeze %dma_wait3A_270 : memref<1x128xi32, #tpu.memory_space<vmem>> -> memref<128xi32, #tpu.memory_space<vmem>>
      %dma_wait3A_272 = arith.constant 0 : i32
      %dma_wait3A_273 = arith.constant 0 : i32
      %dma_wait3A_274 = tpu.memref_slice %arg4[%dma_wait3A_272, %dma_wait3A_273] : memref<100000x64xf32, #tpu.memory_space<hbm>> -> memref<100000x64xf32, #tpu.memory_space<hbm>>
      %dma_wait3A_275 = tpu.memref_slice %arg17[%dma_wait3A_268] : memref<4x!tpu.dma_semaphore, #tpu.memory_space<semaphore_mem>> -> memref<1x!tpu.dma_semaphore, #tpu.memory_space<semaphore_mem>>
      %dma_wait3A_276 = tpu.memref_squeeze %dma_wait3A_275 : memref<1x!tpu.dma_semaphore, #tpu.memory_space<semaphore_mem>> -> memref<!tpu.dma_semaphore, #tpu.memory_space<semaphore_mem>>
      tpu.wait_indirect_dma semaphore(%dma_wait3A_276 : memref<!tpu.dma_semaphore, #tpu.memory_space<semaphore_mem>>) src(%dma_wait3A_274 : memref<100000x64xf32, #tpu.memory_space<hbm>>) dst(%arg14 : memref<128x64xf32, #tpu.memory_space<vmem>>)
      %dma_start3A_277 = arith.constant 2 : i32
      %dma_start3A_278 = arith.constant 0 : i32
      %dma_start3A_279 = tpu.memref_slice %arg5[%add3A_258, %dma_start3A_278] : memref<819200x128xf32, #tpu.memory_space<hbm>> -> memref<128x64xf32, #tpu.memory_space<hbm>>
      %dma_start3A_280 = tpu.memref_slice %arg18[%dma_start3A_277] : memref<4x!tpu.dma_semaphore, #tpu.memory_space<semaphore_mem>> -> memref<1x!tpu.dma_semaphore, #tpu.memory_space<semaphore_mem>>
      %dma_start3A_281 = tpu.memref_squeeze %dma_start3A_280 : memref<1x!tpu.dma_semaphore, #tpu.memory_space<semaphore_mem>> -> memref<!tpu.dma_semaphore, #tpu.memory_space<semaphore_mem>>
      %dma_start3A_282 = arith.constant 0 : i32
      %dma_start3A_283 = tpu.memref_slice %arg5[%add3A_258, %dma_start3A_282] : memref<819200x128xf32, #tpu.memory_space<hbm>> -> memref<128x64xf32, #tpu.memory_space<hbm>>
      tpu.enqueue_dma source(%arg10 : memref<128x64xf32, #tpu.memory_space<vmem>>) target(%dma_start3A_283 : memref<128x64xf32, #tpu.memory_space<hbm>>) target_semaphore(%dma_start3A_281 : memref<!tpu.dma_semaphore, #tpu.memory_space<semaphore_mem>>)
      %dma_start3A_284 = arith.constant 2 : i32
      %dma_start3A_285 = arith.constant 64 : i32
      %dma_start3A_286 = tpu.memref_slice %arg5[%add3A_258, %dma_start3A_285] : memref<819200x128xf32, #tpu.memory_space<hbm>> -> memref<128x64xf32, #tpu.memory_space<hbm>>
      %dma_start3A_287 = tpu.memref_slice %arg19[%dma_start3A_284] : memref<4x!tpu.dma_semaphore, #tpu.memory_space<semaphore_mem>> -> memref<1x!tpu.dma_semaphore, #tpu.memory_space<semaphore_mem>>
      %dma_start3A_288 = tpu.memref_squeeze %dma_start3A_287 : memref<1x!tpu.dma_semaphore, #tpu.memory_space<semaphore_mem>> -> memref<!tpu.dma_semaphore, #tpu.memory_space<semaphore_mem>>
      %dma_start3A_289 = arith.constant 64 : i32
      %dma_start3A_290 = tpu.memref_slice %arg5[%add3A_258, %dma_start3A_289] : memref<819200x128xf32, #tpu.memory_space<hbm>> -> memref<128x64xf32, #tpu.memory_space<hbm>>
      tpu.enqueue_dma source(%arg14 : memref<128x64xf32, #tpu.memory_space<vmem>>) target(%dma_start3A_290 : memref<128x64xf32, #tpu.memory_space<hbm>>) target_semaphore(%dma_start3A_288 : memref<!tpu.dma_semaphore, #tpu.memory_space<semaphore_mem>>)
      %mul3A_291 = arith.constant 4 : i32
      %mul3A_292 = arith.muli %scan3A_84, %mul3A_291 : i32
      %add3A_293 = arith.constant 3 : i32
      %add3A_294 = arith.addi %mul3A_292, %add3A_293 : i32
      %mul3A_295 = arith.constant 128 : i32
      %mul3A_296 = arith.muli %add3A_294, %mul3A_295 : i32
      %add3A_297 = arith.addi %mul3A_2, %mul3A_296 : i32
      %dma_wait3A_298 = arith.constant 3 : i32
      %dma_wait3A_299 = arith.constant 0 : i32
      %dma_wait3A_300 = tpu.memref_slice %arg6[%add3A_155, %dma_wait3A_299] : memref<200x128xi32, #tpu.memory_space<vmem>> -> memref<1x128xi32, #tpu.memory_space<vmem>>
      %dma_wait3A_301 = tpu.memref_squeeze %dma_wait3A_300 : memref<1x128xi32, #tpu.memory_space<vmem>> -> memref<128xi32, #tpu.memory_space<vmem>>
      %dma_wait3A_302 = arith.constant 0 : i32
      %dma_wait3A_303 = arith.constant 0 : i32
      %dma_wait3A_304 = tpu.memref_slice %arg3[%dma_wait3A_302, %dma_wait3A_303] : memref<1000x64xf32, #tpu.memory_space<hbm>> -> memref<1000x64xf32, #tpu.memory_space<hbm>>
      %dma_wait3A_305 = tpu.memref_slice %arg16[%dma_wait3A_298] : memref<4x!tpu.dma_semaphore, #tpu.memory_space<semaphore_mem>> -> memref<1x!tpu.dma_semaphore, #tpu.memory_space<semaphore_mem>>
      %dma_wait3A_306 = tpu.memref_squeeze %dma_wait3A_305 : memref<1x!tpu.dma_semaphore, #tpu.memory_space<semaphore_mem>> -> memref<!tpu.dma_semaphore, #tpu.memory_space<semaphore_mem>>
      tpu.wait_indirect_dma semaphore(%dma_wait3A_306 : memref<!tpu.dma_semaphore, #tpu.memory_space<semaphore_mem>>) src(%dma_wait3A_304 : memref<1000x64xf32, #tpu.memory_space<hbm>>) dst(%arg11 : memref<128x64xf32, #tpu.memory_space<vmem>>)
      %dma_wait3A_307 = arith.constant 3 : i32
      %dma_wait3A_308 = arith.constant 0 : i32
      %dma_wait3A_309 = tpu.memref_slice %arg7[%add3A_155, %dma_wait3A_308] : memref<200x128xi32, #tpu.memory_space<vmem>> -> memref<1x128xi32, #tpu.memory_space<vmem>>
      %dma_wait3A_310 = tpu.memref_squeeze %dma_wait3A_309 : memref<1x128xi32, #tpu.memory_space<vmem>> -> memref<128xi32, #tpu.memory_space<vmem>>
      %dma_wait3A_311 = arith.constant 0 : i32
      %dma_wait3A_312 = arith.constant 0 : i32
      %dma_wait3A_313 = tpu.memref_slice %arg4[%dma_wait3A_311, %dma_wait3A_312] : memref<100000x64xf32, #tpu.memory_space<hbm>> -> memref<100000x64xf32, #tpu.memory_space<hbm>>
      %dma_wait3A_314 = tpu.memref_slice %arg17[%dma_wait3A_307] : memref<4x!tpu.dma_semaphore, #tpu.memory_space<semaphore_mem>> -> memref<1x!tpu.dma_semaphore, #tpu.memory_space<semaphore_mem>>
      %dma_wait3A_315 = tpu.memref_squeeze %dma_wait3A_314 : memref<1x!tpu.dma_semaphore, #tpu.memory_space<semaphore_mem>> -> memref<!tpu.dma_semaphore, #tpu.memory_space<semaphore_mem>>
      tpu.wait_indirect_dma semaphore(%dma_wait3A_315 : memref<!tpu.dma_semaphore, #tpu.memory_space<semaphore_mem>>) src(%dma_wait3A_313 : memref<100000x64xf32, #tpu.memory_space<hbm>>) dst(%arg15 : memref<128x64xf32, #tpu.memory_space<vmem>>)
      %dma_start3A_316 = arith.constant 3 : i32
      %dma_start3A_317 = arith.constant 0 : i32
      %dma_start3A_318 = tpu.memref_slice %arg5[%add3A_297, %dma_start3A_317] : memref<819200x128xf32, #tpu.memory_space<hbm>> -> memref<128x64xf32, #tpu.memory_space<hbm>>
      %dma_start3A_319 = tpu.memref_slice %arg18[%dma_start3A_316] : memref<4x!tpu.dma_semaphore, #tpu.memory_space<semaphore_mem>> -> memref<1x!tpu.dma_semaphore, #tpu.memory_space<semaphore_mem>>
      %dma_start3A_320 = tpu.memref_squeeze %dma_start3A_319 : memref<1x!tpu.dma_semaphore, #tpu.memory_space<semaphore_mem>> -> memref<!tpu.dma_semaphore, #tpu.memory_space<semaphore_mem>>
      %dma_start3A_321 = arith.constant 0 : i32
      %dma_start3A_322 = tpu.memref_slice %arg5[%add3A_297, %dma_start3A_321] : memref<819200x128xf32, #tpu.memory_space<hbm>> -> memref<128x64xf32, #tpu.memory_space<hbm>>
      tpu.enqueue_dma source(%arg11 : memref<128x64xf32, #tpu.memory_space<vmem>>) target(%dma_start3A_322 : memref<128x64xf32, #tpu.memory_space<hbm>>) target_semaphore(%dma_start3A_320 : memref<!tpu.dma_semaphore, #tpu.memory_space<semaphore_mem>>)
      %dma_start3A_323 = arith.constant 3 : i32
      %dma_start3A_324 = arith.constant 64 : i32
      %dma_start3A_325 = tpu.memref_slice %arg5[%add3A_297, %dma_start3A_324] : memref<819200x128xf32, #tpu.memory_space<hbm>> -> memref<128x64xf32, #tpu.memory_space<hbm>>
      %dma_start3A_326 = tpu.memref_slice %arg19[%dma_start3A_323] : memref<4x!tpu.dma_semaphore, #tpu.memory_space<semaphore_mem>> -> memref<1x!tpu.dma_semaphore, #tpu.memory_space<semaphore_mem>>
      %dma_start3A_327 = tpu.memref_squeeze %dma_start3A_326 : memref<1x!tpu.dma_semaphore, #tpu.memory_space<semaphore_mem>> -> memref<!tpu.dma_semaphore, #tpu.memory_space<semaphore_mem>>
      %dma_start3A_328 = arith.constant 64 : i32
      %dma_start3A_329 = tpu.memref_slice %arg5[%add3A_297, %dma_start3A_328] : memref<819200x128xf32, #tpu.memory_space<hbm>> -> memref<128x64xf32, #tpu.memory_space<hbm>>
      tpu.enqueue_dma source(%arg15 : memref<128x64xf32, #tpu.memory_space<vmem>>) target(%dma_start3A_329 : memref<128x64xf32, #tpu.memory_space<hbm>>) target_semaphore(%dma_start3A_327 : memref<!tpu.dma_semaphore, #tpu.memory_space<semaphore_mem>>)
    }
    %scan3A_12 = arith.constant 50 : i32
    %dma_wait3A = arith.constant 0 : i32
    %dma_wait3A_13 = arith.constant 0 : i32
    %dma_wait3A_14 = arith.constant 0 : i32
    %dma_wait3A_15 = tpu.memref_slice %arg5[%dma_wait3A_13, %dma_wait3A_14] : memref<819200x128xf32, #tpu.memory_space<hbm>> -> memref<128x64xf32, #tpu.memory_space<hbm>>
    %dma_wait3A_16 = tpu.memref_slice %arg18[%dma_wait3A] : memref<4x!tpu.dma_semaphore, #tpu.memory_space<semaphore_mem>> -> memref<1x!tpu.dma_semaphore, #tpu.memory_space<semaphore_mem>>
    %dma_wait3A_17 = tpu.memref_squeeze %dma_wait3A_16 : memref<1x!tpu.dma_semaphore, #tpu.memory_space<semaphore_mem>> -> memref<!tpu.dma_semaphore, #tpu.memory_space<semaphore_mem>>
    %dma_wait3A_18 = arith.constant 0 : i32
    %dma_wait3A_19 = arith.constant 0 : i32
    %dma_wait3A_20 = tpu.memref_slice %arg5[%dma_wait3A_18, %dma_wait3A_19] : memref<819200x128xf32, #tpu.memory_space<hbm>> -> memref<128x64xf32, #tpu.memory_space<hbm>>
    tpu.wait_dma2 semaphore(%dma_wait3A_17 : memref<!tpu.dma_semaphore, #tpu.memory_space<semaphore_mem>>) src(%arg8 : memref<128x64xf32, #tpu.memory_space<vmem>>) dst(%dma_wait3A_20 : memref<128x64xf32, #tpu.memory_space<hbm>>)
    %dma_wait3A_21 = arith.constant 0 : i32
    %dma_wait3A_22 = arith.constant 0 : i32
    %dma_wait3A_23 = arith.constant 64 : i32
    %dma_wait3A_24 = tpu.memref_slice %arg5[%dma_wait3A_22, %dma_wait3A_23] : memref<819200x128xf32, #tpu.memory_space<hbm>> -> memref<128x64xf32, #tpu.memory_space<hbm>>
    %dma_wait3A_25 = tpu.memref_slice %arg19[%dma_wait3A_21] : memref<4x!tpu.dma_semaphore, #tpu.memory_space<semaphore_mem>> -> memref<1x!tpu.dma_semaphore, #tpu.memory_space<semaphore_mem>>
    %dma_wait3A_26 = tpu.memref_squeeze %dma_wait3A_25 : memref<1x!tpu.dma_semaphore, #tpu.memory_space<semaphore_mem>> -> memref<!tpu.dma_semaphore, #tpu.memory_space<semaphore_mem>>
    %dma_wait3A_27 = arith.constant 0 : i32
    %dma_wait3A_28 = arith.constant 64 : i32
    %dma_wait3A_29 = tpu.memref_slice %arg5[%dma_wait3A_27, %dma_wait3A_28] : memref<819200x128xf32, #tpu.memory_space<hbm>> -> memref<128x64xf32, #tpu.memory_space<hbm>>
    tpu.wait_dma2 semaphore(%dma_wait3A_26 : memref<!tpu.dma_semaphore, #tpu.memory_space<semaphore_mem>>) src(%arg12 : memref<128x64xf32, #tpu.memory_space<vmem>>) dst(%dma_wait3A_29 : memref<128x64xf32, #tpu.memory_space<hbm>>)
    %dma_wait3A_30 = arith.constant 1 : i32
    %dma_wait3A_31 = arith.constant 0 : i32
    %dma_wait3A_32 = arith.constant 0 : i32
    %dma_wait3A_33 = tpu.memref_slice %arg5[%dma_wait3A_31, %dma_wait3A_32] : memref<819200x128xf32, #tpu.memory_space<hbm>> -> memref<128x64xf32, #tpu.memory_space<hbm>>
    %dma_wait3A_34 = tpu.memref_slice %arg18[%dma_wait3A_30] : memref<4x!tpu.dma_semaphore, #tpu.memory_space<semaphore_mem>> -> memref<1x!tpu.dma_semaphore, #tpu.memory_space<semaphore_mem>>
    %dma_wait3A_35 = tpu.memref_squeeze %dma_wait3A_34 : memref<1x!tpu.dma_semaphore, #tpu.memory_space<semaphore_mem>> -> memref<!tpu.dma_semaphore, #tpu.memory_space<semaphore_mem>>
    %dma_wait3A_36 = arith.constant 0 : i32
    %dma_wait3A_37 = arith.constant 0 : i32
    %dma_wait3A_38 = tpu.memref_slice %arg5[%dma_wait3A_36, %dma_wait3A_37] : memref<819200x128xf32, #tpu.memory_space<hbm>> -> memref<128x64xf32, #tpu.memory_space<hbm>>
    tpu.wait_dma2 semaphore(%dma_wait3A_35 : memref<!tpu.dma_semaphore, #tpu.memory_space<semaphore_mem>>) src(%arg9 : memref<128x64xf32, #tpu.memory_space<vmem>>) dst(%dma_wait3A_38 : memref<128x64xf32, #tpu.memory_space<hbm>>)
    %dma_wait3A_39 = arith.constant 1 : i32
    %dma_wait3A_40 = arith.constant 0 : i32
    %dma_wait3A_41 = arith.constant 64 : i32
    %dma_wait3A_42 = tpu.memref_slice %arg5[%dma_wait3A_40, %dma_wait3A_41] : memref<819200x128xf32, #tpu.memory_space<hbm>> -> memref<128x64xf32, #tpu.memory_space<hbm>>
    %dma_wait3A_43 = tpu.memref_slice %arg19[%dma_wait3A_39] : memref<4x!tpu.dma_semaphore, #tpu.memory_space<semaphore_mem>> -> memref<1x!tpu.dma_semaphore, #tpu.memory_space<semaphore_mem>>
    %dma_wait3A_44 = tpu.memref_squeeze %dma_wait3A_43 : memref<1x!tpu.dma_semaphore, #tpu.memory_space<semaphore_mem>> -> memref<!tpu.dma_semaphore, #tpu.memory_space<semaphore_mem>>
    %dma_wait3A_45 = arith.constant 0 : i32
    %dma_wait3A_46 = arith.constant 64 : i32
    %dma_wait3A_47 = tpu.memref_slice %arg5[%dma_wait3A_45, %dma_wait3A_46] : memref<819200x128xf32, #tpu.memory_space<hbm>> -> memref<128x64xf32, #tpu.memory_space<hbm>>
    tpu.wait_dma2 semaphore(%dma_wait3A_44 : memref<!tpu.dma_semaphore, #tpu.memory_space<semaphore_mem>>) src(%arg13 : memref<128x64xf32, #tpu.memory_space<vmem>>) dst(%dma_wait3A_47 : memref<128x64xf32, #tpu.memory_space<hbm>>)
    %dma_wait3A_48 = arith.constant 2 : i32
    %dma_wait3A_49 = arith.constant 0 : i32
    %dma_wait3A_50 = arith.constant 0 : i32
    %dma_wait3A_51 = tpu.memref_slice %arg5[%dma_wait3A_49, %dma_wait3A_50] : memref<819200x128xf32, #tpu.memory_space<hbm>> -> memref<128x64xf32, #tpu.memory_space<hbm>>
    %dma_wait3A_52 = tpu.memref_slice %arg18[%dma_wait3A_48] : memref<4x!tpu.dma_semaphore, #tpu.memory_space<semaphore_mem>> -> memref<1x!tpu.dma_semaphore, #tpu.memory_space<semaphore_mem>>
    %dma_wait3A_53 = tpu.memref_squeeze %dma_wait3A_52 : memref<1x!tpu.dma_semaphore, #tpu.memory_space<semaphore_mem>> -> memref<!tpu.dma_semaphore, #tpu.memory_space<semaphore_mem>>
    %dma_wait3A_54 = arith.constant 0 : i32
    %dma_wait3A_55 = arith.constant 0 : i32
    %dma_wait3A_56 = tpu.memref_slice %arg5[%dma_wait3A_54, %dma_wait3A_55] : memref<819200x128xf32, #tpu.memory_space<hbm>> -> memref<128x64xf32, #tpu.memory_space<hbm>>
    tpu.wait_dma2 semaphore(%dma_wait3A_53 : memref<!tpu.dma_semaphore, #tpu.memory_space<semaphore_mem>>) src(%arg10 : memref<128x64xf32, #tpu.memory_space<vmem>>) dst(%dma_wait3A_56 : memref<128x64xf32, #tpu.memory_space<hbm>>)
    %dma_wait3A_57 = arith.constant 2 : i32
    %dma_wait3A_58 = arith.constant 0 : i32
    %dma_wait3A_59 = arith.constant 64 : i32
    %dma_wait3A_60 = tpu.memref_slice %arg5[%dma_wait3A_58, %dma_wait3A_59] : memref<819200x128xf32, #tpu.memory_space<hbm>> -> memref<128x64xf32, #tpu.memory_space<hbm>>
    %dma_wait3A_61 = tpu.memref_slice %arg19[%dma_wait3A_57] : memref<4x!tpu.dma_semaphore, #tpu.memory_space<semaphore_mem>> -> memref<1x!tpu.dma_semaphore, #tpu.memory_space<semaphore_mem>>
    %dma_wait3A_62 = tpu.memref_squeeze %dma_wait3A_61 : memref<1x!tpu.dma_semaphore, #tpu.memory_space<semaphore_mem>> -> memref<!tpu.dma_semaphore, #tpu.memory_space<semaphore_mem>>
    %dma_wait3A_63 = arith.constant 0 : i32
    %dma_wait3A_64 = arith.constant 64 : i32
    %dma_wait3A_65 = tpu.memref_slice %arg5[%dma_wait3A_63, %dma_wait3A_64] : memref<819200x128xf32, #tpu.memory_space<hbm>> -> memref<128x64xf32, #tpu.memory_space<hbm>>
    tpu.wait_dma2 semaphore(%dma_wait3A_62 : memref<!tpu.dma_semaphore, #tpu.memory_space<semaphore_mem>>) src(%arg14 : memref<128x64xf32, #tpu.memory_space<vmem>>) dst(%dma_wait3A_65 : memref<128x64xf32, #tpu.memory_space<hbm>>)
    %dma_wait3A_66 = arith.constant 3 : i32
    %dma_wait3A_67 = arith.constant 0 : i32
    %dma_wait3A_68 = arith.constant 0 : i32
    %dma_wait3A_69 = tpu.memref_slice %arg5[%dma_wait3A_67, %dma_wait3A_68] : memref<819200x128xf32, #tpu.memory_space<hbm>> -> memref<128x64xf32, #tpu.memory_space<hbm>>
    %dma_wait3A_70 = tpu.memref_slice %arg18[%dma_wait3A_66] : memref<4x!tpu.dma_semaphore, #tpu.memory_space<semaphore_mem>> -> memref<1x!tpu.dma_semaphore, #tpu.memory_space<semaphore_mem>>
    %dma_wait3A_71 = tpu.memref_squeeze %dma_wait3A_70 : memref<1x!tpu.dma_semaphore, #tpu.memory_space<semaphore_mem>> -> memref<!tpu.dma_semaphore, #tpu.memory_space<semaphore_mem>>
    %dma_wait3A_72 = arith.constant 0 : i32
    %dma_wait3A_73 = arith.constant 0 : i32
    %dma_wait3A_74 = tpu.memref_slice %arg5[%dma_wait3A_72, %dma_wait3A_73] : memref<819200x128xf32, #tpu.memory_space<hbm>> -> memref<128x64xf32, #tpu.memory_space<hbm>>
    tpu.wait_dma2 semaphore(%dma_wait3A_71 : memref<!tpu.dma_semaphore, #tpu.memory_space<semaphore_mem>>) src(%arg11 : memref<128x64xf32, #tpu.memory_space<vmem>>) dst(%dma_wait3A_74 : memref<128x64xf32, #tpu.memory_space<hbm>>)
    %dma_wait3A_75 = arith.constant 3 : i32
    %dma_wait3A_76 = arith.constant 0 : i32
    %dma_wait3A_77 = arith.constant 64 : i32
    %dma_wait3A_78 = tpu.memref_slice %arg5[%dma_wait3A_76, %dma_wait3A_77] : memref<819200x128xf32, #tpu.memory_space<hbm>> -> memref<128x64xf32, #tpu.memory_space<hbm>>
    %dma_wait3A_79 = tpu.memref_slice %arg19[%dma_wait3A_75] : memref<4x!tpu.dma_semaphore, #tpu.memory_space<semaphore_mem>> -> memref<1x!tpu.dma_semaphore, #tpu.memory_space<semaphore_mem>>
    %dma_wait3A_80 = tpu.memref_squeeze %dma_wait3A_79 : memref<1x!tpu.dma_semaphore, #tpu.memory_space<semaphore_mem>> -> memref<!tpu.dma_semaphore, #tpu.memory_space<semaphore_mem>>
    %dma_wait3A_81 = arith.constant 0 : i32
    %dma_wait3A_82 = arith.constant 64 : i32
    %dma_wait3A_83 = tpu.memref_slice %arg5[%dma_wait3A_81, %dma_wait3A_82] : memref<819200x128xf32, #tpu.memory_space<hbm>> -> memref<128x64xf32, #tpu.memory_space<hbm>>
    tpu.wait_dma2 semaphore(%dma_wait3A_80 : memref<!tpu.dma_semaphore, #tpu.memory_space<semaphore_mem>>) src(%arg15 : memref<128x64xf32, #tpu.memory_space<vmem>>) dst(%dma_wait3A_83 : memref<128x64xf32, #tpu.memory_space<hbm>>)
    return
  }
}

</mosaic_0001>

<sc_bundles>
// kernel: _run.3.cloned.1.call-start
scs
__scs_entry_jumppad:
0x0: {  	(pc) =	sbr.rel $0x88, $3  }
0x1: {  	(tag) =	ssettag $0x0;
	lr =	simm.s32 $0x1  }
0x2: {  	[smem:$0x3F9E] =	sst lr;
	_ =	strace $0xD0000000  }
0x3: {  	_ = 	snop  }
0x4: {  	_ = 	snop  }
0x5: {  	_ = 	snop  }
0x6: {  	_ = 	snop  }
0x7: {  	_ = 	snop  }
__scs_overlays_trampoline_lowered:
0x8: {  	[smem:$0x3FAD] =	sst s0  }
0x9: {  	[smem:$0x3FAE] =	sst s1  }
0xa: {  	[smem:$0x3FAF] =	sst s2  }
0xb: {  	[smem:$0x3FB0] =	sst s3  }
0xc: {  	[smem:$0x3FB1] =	sst s4  }
0xd: {  	[smem:$0x3FB2] =	sst s5  }
0xe: {  	[smem:$0x3FB3] =	sst s6  }
0xf: {  	[smem:$0x3FB4] =	sst s7  }
0x10: {  	[smem:$0x3FB5] =	sst s8  }
0x11: {  	[smem:$0x3FB6] =	sst s9;
	s0 =	simm.s32 @!p0 $0x0  }
0x12: {  	s1 =	sld [smem:$0x3F9C];
	s0 =	simm.s32 @p0 $0x1  }
0x13: {  	[smem:$0x3FB7] =	sst s0;
	s0 =	simm.s32 @!p1 $0x0  }
0x14: {  	s2 =	sld [smem:$0x3F9B];
	s0 =	simm.s32 @p1 $0x1  }
0x15: {  	[smem:$0x3FB8] =	sst s0;
	s0 =	simm.s32 @!p2 $0x0  }
0x16: {  	s3 =	sld [smem:$0x3FDB];
	s0 =	simm.s32 @p2 $0x1  }
0x17: {  	s4 =	simm.s32 $0x1BF5;
	[smem:$0x3FBA] =	sst s0  }
0x18: {  	s0 =	sld [smem:$0x3F9D];
	_ =	swait.ge [sflag:s4], $0x0  }
0x19: {  	s7 =	sld [smem:$0x3F9E]  }
0x1a: {  	s8 =	sadd.s32 $0xFFFFE003, lr  }
0x1b: {  	s9 =	sadd.s32 $0xFFFFFEF7, lr;
	s5 =	simm.s32 $0xFFFFFFFF;
	p2 =	slt.u32 s8, $0xFFFFF086  }
0x1c: {  	p1 =	slt.u32 s9, $0xF7A;
	s5 =	simm.s32 @!p2 $0x0  }
0x1d: {  	s5 =	simm.s32 @p1 $0x1;
	p0 =	seq.s32 s7, s2  }
0x1e: {  	s7 =	smul.u32 @!p0 $0xF7A, s2;
	p2 =	seq.s32 @!p0 s5, $0x0  }
0x1f: {  	s9 =	smul.u32 $0xF7A, s1;
	s8 =	simm.s32 @!p0 $0x1BF5;
	p2 =	por !p2, p0  }
0x20: {  	[sflag:s8] =	ssyncset.s32 @!p0 $0xFFFFF086;
	s6 =	sadd.s32 @!p0 s3, s7;
	s7 =	simm.s32 @!p0 $0x108  }
0x21: {  	s3 =	sadd.s32 s3, s9;
	s6 =	sadd.s32 @!p0 $0x88, s6;
	s7 =	simm.s32 @p2 $0x1082  }
0x22: {  	[simem:s7], [sflag:s8] =	dma.local @!p0 [hbm:s6], $0xF7A  }
0x23: {  	s9 =	sor.u32 $0xD0000000, s2;
	s6 =	simm.s32 $0x108;
	_ =	swait.ge @!p0 [sflag:s8], $0x0  }
0x24: {  	s3 =	sadd.s32 $0x88, s3;
	s6 =	simm.s32 @!p1 $0x1082;
	[sflag:s4] =	ssyncset.s32 $0xFFFFF086  }
0x25: {  	[simem:s6], [sflag:s4] =	dma.local [hbm:s3], $0xF7A  }
0x26: {  	[smem:$0x3F9E] =	sst s1;
	(tag) =	ssettag s2;
	_ =	strace s9  }
0x27: {  	s1 =	sld [smem:$0x3FAE]  }
0x28: {  	s2 =	sld [smem:$0x3FAF]  }
0x29: {  	s4 =	sld [smem:$0x3FB1]  }
0x2a: {  	p0 =	seq.s32 s5, $0x0;
	s5 =	sld [smem:$0x3FB2]  }
0x2b: {  	s6 =	sld [smem:$0x3FB3]  }
0x2c: {  	s7 =	sld [smem:$0x3FB4]  }
0x2d: {  	s3 =	simm.s32 $0x108;
	s8 =	sld [smem:$0x3FB5]  }
0x2e: {  	s3 =	simm.s32 @!p0 $0x1082;
	s9 =	sld [smem:$0x3FB6]  }
0x2f: {  	lr =	sadd.s32 s0, s3;
	s0 =	sld [smem:$0x3FAD]  }
0x30: {  	s3 =	sld [smem:$0x3FB0]  }
0x31: {  	[smem:$0x3FB9] =	sst s10  }
0x32: {  	s10 =	sld [smem:$0x3FB7];
	_ =	sdelay $0x3  }
0x33: {  	p0 =	seq.s32 s10, $0x1;
	s10 =	sld [smem:$0x3FB9];
	_ =	sdelay $0x3  }
0x34: {  	[smem:$0x3FB9] =	sst s10  }
0x35: {  	s10 =	sld [smem:$0x3FB8];
	_ =	sdelay $0x3  }
0x36: {  	p1 =	seq.s32 s10, $0x1;
	s10 =	sld [smem:$0x3FB9];
	_ =	sdelay $0x3  }
0x37: {  	[smem:$0x3FB9] =	sst s10  }
0x38: {  	s10 =	sld [smem:$0x3FBA]  }
0x39: {  	_ = 	snop;
	(pc) =	sbr.ind lr, $3  }
0x3a: {  	_ = 	snop  }
0x3b: {  	_ = 	snop  }
0x3c: {  	p2 =	seq.s32 s10, $0x1;
	s10 =	sld [smem:$0x3FB9]  }
0x3d: {  	_ =	shalt  }
0x3e: {  	_ =	shalt  }
0x3f: {  	_ =	shalt  }
0x40: {  	_ =	shalt  }
0x41: {  	_ =	shalt  }
0x42: {  	_ =	shalt  }
0x43: {  	_ =	shalt  }
0x44: {  	_ =	shalt  }
0x45: {  	_ =	shalt  }
0x46: {  	_ =	shalt  }
0x47: {  	_ =	shalt  }
0x48: {  	_ =	shalt  }
0x49: {  	_ =	shalt  }
0x4a: {  	_ =	shalt  }
0x4b: {  	_ =	shalt  }
0x4c: {  	_ =	shalt  }
0x4d: {  	_ =	shalt  }
0x4e: {  	_ =	shalt  }
0x4f: {  	_ =	shalt  }
0x50: {  	_ =	shalt  }
0x51: {  	_ =	shalt  }
0x52: {  	_ =	shalt  }
0x53: {  	_ =	shalt  }
0x54: {  	_ =	shalt  }
0x55: {  	_ =	shalt  }
0x56: {  	_ =	shalt  }
0x57: {  	_ =	shalt  }
0x58: {  	_ =	shalt  }
0x59: {  	_ =	shalt  }
0x5a: {  	_ =	shalt  }
0x5b: {  	_ =	shalt  }
0x5c: {  	_ =	shalt  }
0x5d: {  	_ =	shalt  }
0x5e: {  	_ =	shalt  }
0x5f: {  	_ =	shalt  }
0x60: {  	_ =	shalt  }
0x61: {  	_ =	shalt  }
0x62: {  	_ =	shalt  }
0x63: {  	_ =	shalt  }
0x64: {  	_ =	shalt  }
0x65: {  	_ =	shalt  }
0x66: {  	_ =	shalt  }
0x67: {  	_ =	shalt  }
0x68: {  	_ =	shalt  }
0x69: {  	_ =	shalt  }
0x6a: {  	_ =	shalt  }
0x6b: {  	_ =	shalt  }
0x6c: {  	_ =	shalt  }
0x6d: {  	_ =	shalt  }
0x6e: {  	_ =	shalt  }
0x6f: {  	_ =	shalt  }
0x70: {  	_ =	shalt  }
0x71: {  	_ =	shalt  }
0x72: {  	_ =	shalt  }
0x73: {  	_ =	shalt  }
0x74: {  	_ =	shalt  }
0x75: {  	_ =	shalt  }
0x76: {  	_ =	shalt  }
0x77: {  	_ =	shalt  }
0x78: {  	_ =	shalt  }
0x79: {  	_ =	shalt  }
0x7a: {  	_ =	shalt  }
0x7b: {  	_ =	shalt  }
0x7c: {  	_ =	shalt  }
0x7d: {  	_ =	shalt  }
0x7e: {  	_ =	shalt  }
0x7f: {  	_ =	shalt  }
0x80: {  	_ =	shalt  }
0x81: {  	_ =	shalt  }
0x82: {  	_ =	shalt  }
0x83: {  	_ =	shalt  }
0x84: {  	_ =	shalt  }
0x85: {  	_ =	shalt  }
0x86: {  	_ =	shalt  }
0x87: {  	_ =	shalt  }
.Lfunc_end0:
.L_simem_size_0:
called_computation_lowered:
.L_overlay_start_0:
0x88: {  	s2 =	sld [smem:$0x3FD9]  }
0x89: {  	s3 =	sld [smem:$0x3FFE];
	_ =	sdelay $0x1  }
0x8a: {  	s1 =	srdreg.scid  }
0x8b: {  	s0 =	sand.u32 $0x1, s1  }
0x8c: {  	s17 =	sshll.u32 s0, $0xA;
	s2 =	sadd.s32 s3, s2  }
0x8d: {  	s2 =	sadd.s32 s2, s17  }
0x8e: {  	[smem:$0x3FC5] =	sst s2  }
0x8f: {  	_ = 	snop  }
0x90: {  	s2 =	sld [smem:$0x3FC9]  }
0x91: {  	s18 =	sld [smem:$0x3FD0];
	(tm) =	ssettm $0x1  }
0x92: {  	s4 =	sld [smem:$0x3FFB];
	_ =	sdelay $0x3  }
0x93: {  	_ =	strace s4  }
0x94: {  	s4 =	sld [smem:$0x3FFC];
	_ =	sdelay $0x3  }
0x95: {  	_ =	strace s4  }
0x96: {  	s4 =	sld [smem:$0x3FFD];
	_ =	sdelay $0x3  }
0x97: {  	_ =	strace s4  }
0x98: {  	_ =	strace $0x8FFFFFFF  }
0x99: {  	s19 =	sld [smem:$0x3FDB];
	_ =	sdelay $0x1  }
0x9a: {  	s5 =	simm.s32 $_scs_section_size  }
0x9b: {  	s6 =	simm.s32 $_size__tile_overlayer_lowered;
	s7 =	simm.s32 $_tile_overlayer_lowered  }
0x9c: {  	s22 =	simm.s32 $0x1BFF;
	s21 =	sshll.u32 s7, $0x1;
	s4 =	sadd.s32 s5, s19  }
0x9d: {  	s8 =	simm.s32 $0x0;
	s20 =	sshll.u32 s6, $0x1;
	s6 =	sadd.s32 s21, s4  }
0x9e: {  	[timem:s8], [sflag:s22] =	dma.local [hbm:s6], s20  }
0x9f: {  	_ =	swait.ge [sflag:s22], s20  }
0xa0: {  	s5 =	ssub.s32 $0x0, s20;
	[sflag:s22] =	ssyncset.done $0x0  }
0xa1: {  	[sflag:s22] =	ssyncadd.s32 s5;
	_ =	sdelay $0x1  }
0xa2: {  	s23 =	simm.s32 $0x1B8B  }
0xa3: {  	_ =	swait.ge [sflag:s23], $0x1  }
0xa4: {  	[sflag:s23] =	ssyncset.done $0x0  }
0xa5: {  	s25 =	simm.s32 $0x1B8E;
	s24 =	sld [smem:$0x3FFE];
	[sflag:s23] =	ssyncadd.s32 $0xFFFFFFFF  }
0xa6: {  	s26 =	simm.s32 $execute0_lowered;
	[smem:$0x3FD2] =	sst s25  }
0xa7: {  	s6 =	sshll.u32 s26, $0x1;
	_ =	strace $0x80000046;
	[dreg:$0x1] =	wrdreg $0xFFFFFFFF  }
0xa8: {  	s28 =	simm.s32 $_size_execute0_lowered;
	s4 =	sadd.s32 s4, s6;
	[dreg:$0x0] =	wrdreg $0x0  }
0xa9: {  	s6 =	sshll.u32 s28, $0x1;
	[dreg:$0x2] =	wrdreg s4  }
0xaa: {  	[dreg:$0x3] =	wrdreg s6  }
0xab: {  	[dreg:$0x4] =	wrdreg $0xC0  }
0xac: {  	_ =	task [dreg:s8], $0x5FFFF  }
0xad: {  	[dreg:$0x1] =	wrdreg $0xFFFFFFFF  }
0xae: {  	[dreg:$0x0] =	wrdreg $0x60  }
0xaf: {  	[dreg:$0x2] =	wrdreg s2  }
0xb0: {  	[dreg:$0x3] =	wrdreg s24  }
0xb1: {  	[dreg:$0x4] =	wrdreg s18  }
0xb2: {  	[dreg:$0x5] =	wrdreg $0x9  }
0xb3: {  	_ =	task.clear_ibuf [dreg:s8], $0x6FFFF;
	_ =	strace $0x90000046  }
0xb4: {  	s29 =	simm.s32 $0x9;
	_ =	strace $0x80000048  }
0xb5: {  	_ =	swait.ge [sflag:s29], $0x1  }
0xb6: {  	[sflag:s29] =	ssyncadd.s32 $0xFFFFFFFF  }
0xb7: {  	_ =	strace $0x90000048  }
0xb8: {  	_ =	sfence  }
0xb9: {  	s30 =	sld [smem:$0x0];
	_ =	sdelay $0x2  }
0xba: {  	s31 =	sshll.u32 s1, $0xD;
	s1 =	sshrl.u32 s1, $0x2  }
0xbb: {  	s3 =	sand.u32 $0x4000, s31;
	s1 =	sadd.s32 s1, s30  }
0xbc: {  	s0 =	sor.u32 s3, s0;
	s1 =	sshll.u32 s1, $0x11  }
0xbd: {  	s0 =	sor.u32 s1, s0  }
0xbe: {  	s0 =	sadd.s32 $0x8F2B, s0  }
0xbf: {  	[sflag:s0] =	ssyncadd.remote.s32 $0x1  }
0xc0: {  	_ =	sfence.sel $0xFFFF  }
0xc1: {  	[dreg:$0x0] =	wrdreg $0xFFFFFFFF;
	(pc) =	sbr.abs _section_cstart, $3  }
0xc2: {  	[dreg:$0x1] =	wrdreg $0xFFFFFFFF  }
0xc3: {  	_ =	task.clear_ibuf [dreg:s8], $0x2FFFF;
	_ =	strace $0x9FFFFFFF  }
0xc4: {  	(tm) =	ssettm $0x7FFFFFFF  }
0xc5: {  	_ =	shalt  }
tec
execute0_lowered:
.L_overlay_start_1:
0x0: {  	(tag) =	ssettag $0x1  }
0x1: {  	s0 =	rddreg [dreg:$0x0];
	s1 =	srdreg.scid  }
0x2: {  	s11 =	stileid.u32;
	s2 =	rddreg [dreg:$0x1]  }
0x3: {  	s5 =	rddreg [dreg:$0x2];
	s4 =	simm.s32 $0x0;
	s12 =	simm.s32 $0x14800  }
0x4: {  	s13 =	simm.s32 $0xE800;
	s14 =	simm.s32 $0x16800;
	s15 =	simm.s32 $0x10800  }
0x5: {  	s16 =	simm.s32 $0x18800;
	s17 =	simm.s32 $0x12800;
	s18 =	simm.s32 $0x1A800  }
0x6: {  	s19 =	simm.s32 $0x1;
	s20 =	simm.s32 $0x5;
	s21 =	simm.s32 $0x40  }
0x7: {  	s22 =	simm.s32 $0x2;
	s23 =	simm.s32 $0x6;
	s24 =	simm.s32 $0x3  }
0x8: {  	s28 =	simm.s32 $0x8;
	s1 =	sand.u32 $0x1, s1;
	s8 =	smul.u32 $0x640000, s11  }
0x9: {  	s3 =	sshll.u32 s11, $0x1;
	[smem:$0x7FF] =	sst s4;
	s29 =	smul.u32 $0xC8000, s11  }
0xa: {  	s4 =	sadd.s32 $0x2400, s2;
	s11 =	simm.s32 $0xC800;
	s10 =	smul.u32 $0x320000, s1  }
0xb: {  	s3 =	sor.u32 s1, s3;
	s7 =	ssub.s32 $0x2, s1;
	s1 =	smul.u32 $0x64000, s1  }
0xc: {  	_ =	strace $0x80000047;
	s6 =	smul.u32 $0x6400, s3;
	s9 =	sshrl.u32 s7, $0x1  }
0xd: {  	s3 =	sadd.s32 $0x400, s2;
	s25 =	ssub.s32 s7, s9;
	s26 =	sadd.s32 s10, s8  }
0xe: {  	s8 =	simm.s32 $0x11;
	s10 =	simm.s32 $0x80;
	s9 =	simm.s32 $0xF  }
0xf: {  	s7 =	simm.s32 $0x0;
	s6 =	sshrl.u32 s6, $0x3;
	s2 =	smax.u32 s25, $0x1  }
0x10: {  	s30 =	sshrl.u32 s26, $0x3;
	s6 =	sadd.s32 s0, s6;
	[dreg:$0x8] =	wrdreg s2  }
0x11: {  	s25 =	simm.s32 $0x7;
	s0 =	sadd.s32 s30, s5;
	[dreg:$0x6] =	wrdreg s6  }
0x12: {  	s5 =	sadd.s32 s29, s5;
	s6 =	sadd.s32 $0x19000, s6;
	[dreg:$0x4] =	wrdreg s0  }
0x13: {  	s26 =	simm.s32 $0x4;
	s31 =	sadd.s32 s1, s5;
	[dreg:$0x7] =	wrdreg s6  }
0x14: {  	s2 =	simm.s32 $0xC;
	[dreg:$0x5] =	wrdreg s31;
	s6 =	simm.s32 $0x10  }
.LBB2_1:
0x15: {  	s0 =	simm.s32 $0x0;
	s1 =	rddreg [dreg:$0x6]  }
0x16: {  	[tilespmem:s0], [sflag:$0x11] =	stream.linear.gather [hbm4b:s1+s0], $0x6400, $0x38;
	[tilespmem:$0x1C800] =	vst v63  }
0x17: {  	_ =	swait.ge [sflag:s8], $0x6400  }
0x18: {  	[sflag:s8] =	ssyncset.done $0x0  }
0x19: {  	s5 =	simm.s32 $0x6400;
	s31 =	rddreg [dreg:$0x7];
	[sflag:s8] =	ssyncadd.s32 $0xFFFF9C00  }
0x1a: {  	[tilespmem:s5], [sflag:$0x11] =	stream.linear.gather [hbm4b:s31+s0], $0x6400, $0x38;
	[tilespmem:$0x1C800] =	vst v63  }
0x1b: {  	_ =	swait.ge [sflag:s8], $0x6400  }
0x1c: {  	p0 =	por $0x1, $0x1;
	[sflag:s8] =	ssyncset.done $0x0  }
0x1d: {  	s1 =	simm.s32 @!p0 $0x9;
	[sflag:s8] =	ssyncadd.s32 $0xFFFF9C00  }
0x1e: {  	_ =	swait.ge @!p0 [sflag:s1], $0x2000  }
0x1f: {  	[sflag:s1] =	ssyncset.done @!p0 $0x0  }
0x20: {  	[sflag:s1] =	ssyncadd.s32 @!p0 $0xFFFFE000;
	s1 =	simm.s32 @!p0 $0xD  }
0x21: {  	_ =	swait.ge @!p0 [sflag:s1], $0x2000  }
0x22: {  	[sflag:s1] =	ssyncset.done @!p0 $0x0  }
0x23: {  	[sflag:s1] =	ssyncadd.s32 @!p0 $0xFFFFE000;
	s1 =	simm.s32 @!p0 $0xA  }
0x24: {  	_ =	swait.ge @!p0 [sflag:s1], $0x2000  }
0x25: {  	[sflag:s1] =	ssyncset.done @!p0 $0x0  }
0x26: {  	[sflag:s1] =	ssyncadd.s32 @!p0 $0xFFFFE000;
	s1 =	simm.s32 @!p0 $0xE  }
0x27: {  	_ =	swait.ge @!p0 [sflag:s1], $0x2000  }
0x28: {  	[sflag:s1] =	ssyncset.done @!p0 $0x0  }
0x29: {  	[sflag:s1] =	ssyncadd.s32 @!p0 $0xFFFFE000;
	s1 =	simm.s32 @!p0 $0xB  }
0x2a: {  	_ =	swait.ge @!p0 [sflag:s1], $0x2000  }
0x2b: {  	[sflag:s1] =	ssyncset.done @!p0 $0x0  }
0x2c: {  	[sflag:s1] =	ssyncadd.s32 @!p0 $0xFFFFE000;
	s1 =	simm.s32 @!p0 $0xF  }
0x2d: {  	_ =	swait.ge @!p0 [sflag:s1], $0x2000  }
0x2e: {  	[sflag:s1] =	ssyncset.done @!p0 $0x0  }
0x2f: {  	[sflag:s1] =	ssyncadd.s32 @!p0 $0xFFFFE000;
	s1 =	simm.s32 @!p0 $0xC  }
0x30: {  	_ =	swait.ge @!p0 [sflag:s1], $0x2000  }
0x31: {  	[sflag:s1] =	ssyncset.done @!p0 $0x0  }
0x32: {  	[sflag:s1] =	ssyncadd.s32 @!p0 $0xFFFFE000;
	s1 =	simm.s32 @!p0 $0x10  }
0x33: {  	_ =	swait.ge @!p0 [sflag:s1], $0x2000  }
0x34: {  	[sflag:s1] =	ssyncset.done @!p0 $0x0  }
0x35: {  	s5 =	simm.s32 $0x0;
	[sflag:s1] =	ssyncadd.s32 @!p0 $0xFFFFE000  }
0x36: {  	[tilespmem:s11], [sflag:$0x1] =	stream.indirect.gather [hbm4b:s3+s10], $0x40, s5, s10, $0xb8;
	[tilespmem:$0x1C800] =	vst v63  }
0x37: {  	s31 =	simm.s32 $0x6400  }
0x38: {  	[tilespmem:s12], [sflag:$0x5] =	stream.indirect.gather [hbm4b:s4+s10], $0x40, s31, s10, $0xb8;
	[tilespmem:$0x1C800] =	vst v63  }
0x39: {  	s0 =	simm.s32 $0x80  }
0x3a: {  	[tilespmem:s13], [sflag:$0x2] =	stream.indirect.gather [hbm4b:s3+s10], $0x40, s0, s10, $0xb8;
	[tilespmem:$0x1C800] =	vst v63  }
0x3b: {  	s5 =	simm.s32 $0x6480  }
0x3c: {  	[tilespmem:s14], [sflag:$0x6] =	stream.indirect.gather [hbm4b:s4+s10], $0x40, s5, s10, $0xb8;
	[tilespmem:$0x1C800] =	vst v63  }
0x3d: {  	s31 =	simm.s32 $0x100  }
0x3e: {  	[tilespmem:s15], [sflag:$0x3] =	stream.indirect.gather [hbm4b:s3+s10], $0x40, s31, s10, $0xb8;
	[tilespmem:$0x1C800] =	vst v63  }
0x3f: {  	s0 =	simm.s32 $0x6500  }
0x40: {  	[tilespmem:s16], [sflag:$0x7] =	stream.indirect.gather [hbm4b:s4+s10], $0x40, s0, s10, $0xb8;
	[tilespmem:$0x1C800] =	vst v63  }
0x41: {  	s5 =	simm.s32 $0x180  }
0x42: {  	[tilespmem:s17], [sflag:$0x4] =	stream.indirect.gather [hbm4b:s3+s10], $0x40, s5, s10, $0xb8;
	[tilespmem:$0x1C800] =	vst v63  }
0x43: {  	s31 =	simm.s32 $0x6580  }
0x44: {  	[tilespmem:s18], [sflag:$0x8] =	stream.indirect.gather [hbm4b:s4+s10], $0x40, s31, s10, $0xb8;
	[tilespmem:$0x1C800] =	vst v63  }
0x45: {  	_ =	swait.ge [sflag:s19], $0x2000  }
0x46: {  	[sflag:s19] =	ssyncset.done $0x0  }
0x47: {  	[sflag:s19] =	ssyncadd.s32 $0xFFFFE000  }
0x48: {  	_ =	swait.ge [sflag:s20], $0x2000  }
0x49: {  	s0 =	rddreg [dreg:$0x4];
	[sflag:s20] =	ssyncset.done $0x0  }
0x4a: {  	[sflag:s20] =	ssyncadd.s32 $0xFFFFE000;
	s1 =	sadd.s32 $0x0, s0  }
0x4b: {  	[hbm4b:s1+s21] =	stream.strided.scatter [tilespmem:s11], [sflag:$0x9], $0x2000, s10, s21, $0x38;
	[tilespmem:$0x1C800] =	vst v63  }
0x4c: {  	s1 =	sadd.s32 $0x8, s1  }
0x4d: {  	[hbm4b:s1+s21] =	stream.strided.scatter [tilespmem:s12], [sflag:$0xD], $0x2000, s10, s21, $0x38;
	[tilespmem:$0x1C800] =	vst v63  }
0x4e: {  	_ =	swait.ge [sflag:s22], $0x2000  }
0x4f: {  	[sflag:s22] =	ssyncset.done $0x0  }
0x50: {  	[sflag:s22] =	ssyncadd.s32 $0xFFFFE000  }
0x51: {  	_ =	swait.ge [sflag:s23], $0x2000  }
0x52: {  	s5 =	rddreg [dreg:$0x5]  }
0x53: {  	[sflag:s23] =	ssyncset.done $0x0;
	s1 =	sadd.s32 $0x0, s5  }
0x54: {  	[sflag:s23] =	ssyncadd.s32 $0xFFFFE000;
	s31 =	sadd.s32 $0x800, s1  }
0x55: {  	[hbm4b:s31+s21] =	stream.strided.scatter [tilespmem:s13], [sflag:$0xA], $0x2000, s10, s21, $0x38;
	[tilespmem:$0x1C800] =	vst v63  }
0x56: {  	s0 =	sadd.s32 $0x808, s1  }
0x57: {  	[hbm4b:s0+s21] =	stream.strided.scatter [tilespmem:s14], [sflag:$0xE], $0x2000, s10, s21, $0x38;
	[tilespmem:$0x1C800] =	vst v63  }
0x58: {  	_ =	swait.ge [sflag:s24], $0x2000  }
0x59: {  	[sflag:s24] =	ssyncset.done $0x0  }
0x5a: {  	[sflag:s24] =	ssyncadd.s32 $0xFFFFE000  }
0x5b: {  	_ =	swait.ge [sflag:s25], $0x2000  }
0x5c: {  	[sflag:s25] =	ssyncset.done $0x0  }
0x5d: {  	s31 =	sadd.s32 $0x1000, s1;
	[sflag:s25] =	ssyncadd.s32 $0xFFFFE000  }
0x5e: {  	[hbm4b:s31+s21] =	stream.strided.scatter [tilespmem:s15], [sflag:$0xB], $0x2000, s10, s21, $0x38;
	[tilespmem:$0x1C800] =	vst v63  }
0x5f: {  	s0 =	sadd.s32 $0x1008, s1  }
0x60: {  	[hbm4b:s0+s21] =	stream.strided.scatter [tilespmem:s16], [sflag:$0xF], $0x2000, s10, s21, $0x38;
	[tilespmem:$0x1C800] =	vst v63  }
0x61: {  	_ =	swait.ge [sflag:s26], $0x2000  }
0x62: {  	[sflag:s26] =	ssyncset.done $0x0  }
0x63: {  	[sflag:s26] =	ssyncadd.s32 $0xFFFFE000  }
0x64: {  	s30 =	simm.s32 $0x4000;
	p1 =	por $0x0, $0x0;
	_ =	swait.ge [sflag:s28], $0x2000  }
0x65: {  	s29 =	simm.s32 $0x0;
	s5 =	simm.s32 $0x2000;
	[sflag:s28] =	ssyncset.done $0x0  }
0x66: {  	s31 =	sadd.s32 $0x1800, s1;
	s1 =	sadd.s32 $0x1808, s1;
	[sflag:s28] =	ssyncadd.s32 $0xFFFFE000  }
0x67: {  	[hbm4b:s31+s21] =	stream.strided.scatter [tilespmem:s17], [sflag:$0xC], $0x2000, s10, s21, $0x38;
	[tilespmem:$0x1C800] =	vst v63  }
.LBB2_2:
0x68: {  	s0 =	simm.s32 @!p1 $0x9  }
0x69: {  	[hbm4b:s1+s21] =	stream.strided.scatter [tilespmem:s18], [sflag:$0x10], $0x2000, s10, s21, $0x38;
	[tilespmem:$0x1C800] =	vst v63  }
0x6a: {  	_ =	swait.ge @!p1 [sflag:s0], $0x2000  }
0x6b: {  	[sflag:s0] =	ssyncset.done @!p1 $0x0  }
0x6c: {  	[sflag:s0] =	ssyncadd.s32 @!p1 $0xFFFFE000;
	s0 =	simm.s32 @!p1 $0xD  }
0x6d: {  	_ =	swait.ge @!p1 [sflag:s0], $0x2000  }
0x6e: {  	[sflag:s0] =	ssyncset.done @!p1 $0x0  }
0x6f: {  	[sflag:s0] =	ssyncadd.s32 @!p1 $0xFFFFE000;
	s0 =	simm.s32 @!p1 $0xA  }
0x70: {  	_ =	swait.ge @!p1 [sflag:s0], $0x2000  }
0x71: {  	[sflag:s0] =	ssyncset.done @!p1 $0x0  }
0x72: {  	[sflag:s0] =	ssyncadd.s32 @!p1 $0xFFFFE000;
	s0 =	simm.s32 @!p1 $0xE  }
0x73: {  	_ =	swait.ge @!p1 [sflag:s0], $0x2000  }
0x74: {  	[sflag:s0] =	ssyncset.done @!p1 $0x0  }
0x75: {  	[sflag:s0] =	ssyncadd.s32 @!p1 $0xFFFFE000;
	s0 =	simm.s32 @!p1 $0xB  }
0x76: {  	_ =	swait.ge @!p1 [sflag:s0], $0x2000  }
0x77: {  	[sflag:s0] =	ssyncset.done @!p1 $0x0  }
0x78: {  	[sflag:s0] =	ssyncadd.s32 @!p1 $0xFFFFE000;
	s0 =	simm.s32 @!p1 $0xF  }
0x79: {  	_ =	swait.ge @!p1 [sflag:s0], $0x2000  }
0x7a: {  	[sflag:s0] =	ssyncset.done @!p1 $0x0  }
0x7b: {  	[sflag:s0] =	ssyncadd.s32 @!p1 $0xFFFFE000;
	s0 =	simm.s32 @!p1 $0xC  }
0x7c: {  	_ =	swait.ge @!p1 [sflag:s0], $0x2000  }
0x7d: {  	[sflag:s0] =	ssyncset.done @!p1 $0x0  }
0x7e: {  	[sflag:s0] =	ssyncadd.s32 @!p1 $0xFFFFE000;
	s0 =	simm.s32 @!p1 $0x10  }
0x7f: {  	_ =	swait.ge @!p1 [sflag:s0], $0x2000  }
0x80: {  	s29 =	sadd.s32 $0x800, s29;
	[sflag:s0] =	ssyncset.done @!p1 $0x0  }
0x81: {  	[sflag:s0] =	ssyncadd.s32 @!p1 $0xFFFFE000;
	s0 =	sshra.s32 s29, $0x2  }
0x82: {  	[tilespmem:s11], [sflag:$0x1] =	stream.indirect.gather [hbm4b:s3+s10], $0x40, s0, s10, $0xb8;
	[tilespmem:$0x1C800] =	vst v63  }
0x83: {  	s1 =	sadd.s32 $0x6400, s0  }
0x84: {  	[tilespmem:s12], [sflag:$0x5] =	stream.indirect.gather [hbm4b:s4+s10], $0x40, s1, s10, $0xb8;
	[tilespmem:$0x1C800] =	vst v63  }
0x85: {  	s1 =	sadd.s32 $0x80, s0  }
0x86: {  	[tilespmem:s13], [sflag:$0x2] =	stream.indirect.gather [hbm4b:s3+s10], $0x40, s1, s10, $0xb8;
	[tilespmem:$0x1C800] =	vst v63  }
0x87: {  	s1 =	sadd.s32 $0x6480, s0  }
0x88: {  	[tilespmem:s14], [sflag:$0x6] =	stream.indirect.gather [hbm4b:s4+s10], $0x40, s1, s10, $0xb8;
	[tilespmem:$0x1C800] =	vst v63  }
0x89: {  	s1 =	sadd.s32 $0x100, s0  }
0x8a: {  	[tilespmem:s15], [sflag:$0x3] =	stream.indirect.gather [hbm4b:s3+s10], $0x40, s1, s10, $0xb8;
	[tilespmem:$0x1C800] =	vst v63  }
0x8b: {  	s1 =	sadd.s32 $0x6500, s0  }
0x8c: {  	[tilespmem:s16], [sflag:$0x7] =	stream.indirect.gather [hbm4b:s4+s10], $0x40, s1, s10, $0xb8;
	[tilespmem:$0x1C800] =	vst v63  }
0x8d: {  	s1 =	sadd.s32 $0x180, s0  }
0x8e: {  	[tilespmem:s17], [sflag:$0x4] =	stream.indirect.gather [hbm4b:s3+s10], $0x40, s1, s10, $0xb8;
	[tilespmem:$0x1C800] =	vst v63  }
0x8f: {  	s0 =	sadd.s32 $0x6580, s0  }
0x90: {  	[tilespmem:s18], [sflag:$0x8] =	stream.indirect.gather [hbm4b:s4+s10], $0x40, s0, s10, $0xb8;
	[tilespmem:$0x1C800] =	vst v63  }
0x91: {  	_ =	swait.ge [sflag:s19], $0x2000  }
0x92: {  	[sflag:s19] =	ssyncset.done $0x0  }
0x93: {  	[sflag:s19] =	ssyncadd.s32 $0xFFFFE000  }
0x94: {  	_ =	swait.ge [sflag:s20], $0x2000  }
0x95: {  	s1 =	rddreg [dreg:$0x4];
	[sflag:s20] =	ssyncset.done $0x0  }
0x96: {  	[sflag:s20] =	ssyncadd.s32 $0xFFFFE000;
	s0 =	sadd.s32 s5, s1  }
0x97: {  	[hbm4b:s0+s21] =	stream.strided.scatter [tilespmem:s11], [sflag:$0x9], $0x2000, s10, s21, $0x38;
	[tilespmem:$0x1C800] =	vst v63  }
0x98: {  	s0 =	sadd.s32 $0x8, s0  }
0x99: {  	[hbm4b:s0+s21] =	stream.strided.scatter [tilespmem:s12], [sflag:$0xD], $0x2000, s10, s21, $0x38;
	[tilespmem:$0x1C800] =	vst v63  }
0x9a: {  	_ =	swait.ge [sflag:s22], $0x2000  }
0x9b: {  	[sflag:s22] =	ssyncset.done $0x0  }
0x9c: {  	[sflag:s22] =	ssyncadd.s32 $0xFFFFE000  }
0x9d: {  	_ =	swait.ge [sflag:s23], $0x2000  }
0x9e: {  	s1 =	rddreg [dreg:$0x5]  }
0x9f: {  	s31 =	smov.u32 s30;
	[sflag:s23] =	ssyncset.done $0x0;
	s0 =	sadd.s32 s5, s1  }
0xa0: {  	s5 =	smov.u32 s31;
	[sflag:s23] =	ssyncadd.s32 $0xFFFFE000;
	s31 =	sadd.s32 $0x800, s0  }
0xa1: {  	[hbm4b:s31+s21] =	stream.strided.scatter [tilespmem:s13], [sflag:$0xA], $0x2000, s10, s21, $0x38;
	[tilespmem:$0x1C800] =	vst v63  }
0xa2: {  	s31 =	sadd.s32 $0x808, s0  }
0xa3: {  	[hbm4b:s31+s21] =	stream.strided.scatter [tilespmem:s14], [sflag:$0xE], $0x2000, s10, s21, $0x38;
	[tilespmem:$0x1C800] =	vst v63  }
0xa4: {  	_ =	swait.ge [sflag:s24], $0x2000  }
0xa5: {  	[sflag:s24] =	ssyncset.done $0x0  }
0xa6: {  	[sflag:s24] =	ssyncadd.s32 $0xFFFFE000  }
0xa7: {  	_ =	swait.ge [sflag:s25], $0x2000  }
0xa8: {  	[sflag:s25] =	ssyncset.done $0x0  }
0xa9: {  	s31 =	sadd.s32 $0x1000, s0;
	[sflag:s25] =	ssyncadd.s32 $0xFFFFE000  }
0xaa: {  	[hbm4b:s31+s21] =	stream.strided.scatter [tilespmem:s15], [sflag:$0xB], $0x2000, s10, s21, $0x38;
	[tilespmem:$0x1C800] =	vst v63  }
0xab: {  	s31 =	sadd.s32 $0x1008, s0  }
0xac: {  	[hbm4b:s31+s21] =	stream.strided.scatter [tilespmem:s16], [sflag:$0xF], $0x2000, s10, s21, $0x38;
	[tilespmem:$0x1C800] =	vst v63  }
0xad: {  	s30 =	sadd.s32 $0x2000, s30;
	_ =	swait.ge [sflag:s26], $0x2000  }
0xae: {  	p0 =	sne.s32 s30, $0x64000;
	[sflag:s26] =	ssyncset.done $0x0  }
.Ltmp0:
0xaf: {  	[sflag:s26] =	ssyncadd.s32 $0xFFFFE000;
	(pc) =	sbr.rel @p0 .LBB2_2-.Ltmp0, $4  }
0xb0: {  	_ =	swait.ge [sflag:s28], $0x2000  }
0xb1: {  	p1 =	seq.s32 s5, $0x0;
	[sflag:s28] =	ssyncset.done $0x0  }
0xb2: {  	s1 =	sadd.s32 $0x1808, s0;
	s31 =	sadd.s32 $0x1800, s0;
	[sflag:s28] =	ssyncadd.s32 $0xFFFFE000  }
0xb3: {  	[hbm4b:s31+s21] =	stream.strided.scatter [tilespmem:s17], [sflag:$0xC], $0x2000, s10, s21, $0x38;
	[tilespmem:$0x1C800] =	vst v63  }
0xb4: {  	[hbm4b:s1+s21] =	stream.strided.scatter [tilespmem:s18], [sflag:$0x10], $0x2000, s10, s21, $0x38;
	[tilespmem:$0x1C800] =	vst v63  }
0xb5: {  	s0 =	simm.s32 @!p1 $0x9  }
0xb6: {  	_ =	swait.ge @!p1 [sflag:s0], $0x2000  }
0xb7: {  	[sflag:s0] =	ssyncset.done @!p1 $0x0  }
0xb8: {  	[sflag:s0] =	ssyncadd.s32 @!p1 $0xFFFFE000;
	s0 =	simm.s32 @!p1 $0xD  }
0xb9: {  	_ =	swait.ge @!p1 [sflag:s0], $0x2000  }
0xba: {  	[sflag:s0] =	ssyncset.done @!p1 $0x0  }
0xbb: {  	[sflag:s0] =	ssyncadd.s32 @!p1 $0xFFFFE000;
	s0 =	simm.s32 @!p1 $0xA  }
0xbc: {  	_ =	swait.ge @!p1 [sflag:s0], $0x2000  }
0xbd: {  	[sflag:s0] =	ssyncset.done @!p1 $0x0  }
0xbe: {  	[sflag:s0] =	ssyncadd.s32 @!p1 $0xFFFFE000;
	s0 =	simm.s32 @!p1 $0xE  }
0xbf: {  	_ =	swait.ge @!p1 [sflag:s0], $0x2000  }
0xc0: {  	[sflag:s0] =	ssyncset.done @!p1 $0x0  }
0xc1: {  	[sflag:s0] =	ssyncadd.s32 @!p1 $0xFFFFE000;
	s0 =	simm.s32 @!p1 $0xB  }
0xc2: {  	_ =	swait.ge @!p1 [sflag:s0], $0x2000  }
0xc3: {  	[sflag:s0] =	ssyncset.done @!p1 $0x0  }
0xc4: {  	[sflag:s0] =	ssyncadd.s32 @!p1 $0xFFFFE000;
	s0 =	simm.s32 @!p1 $0xF  }
0xc5: {  	_ =	swait.ge @!p1 [sflag:s0], $0x2000  }
0xc6: {  	[sflag:s0] =	ssyncset.done @!p1 $0x0  }
0xc7: {  	[sflag:s0] =	ssyncadd.s32 @!p1 $0xFFFFE000;
	s0 =	simm.s32 @!p1 $0xC  }
0xc8: {  	_ =	swait.ge @!p1 [sflag:s0], $0x2000  }
0xc9: {  	[sflag:s0] =	ssyncset.done @!p1 $0x0  }
0xca: {  	[sflag:s0] =	ssyncadd.s32 @!p1 $0xFFFFE000;
	s0 =	simm.s32 @!p1 $0x10  }
0xcb: {  	_ =	swait.ge @!p1 [sflag:s0], $0x2000  }
0xcc: {  	s29 =	sadd.s32 $0x800, s29;
	[sflag:s0] =	ssyncset.done @!p1 $0x0  }
0xcd: {  	[sflag:s0] =	ssyncadd.s32 @!p1 $0xFFFFE000;
	s0 =	sshra.s32 s29, $0x2  }
0xce: {  	[tilespmem:s11], [sflag:$0x1] =	stream.indirect.gather [hbm4b:s3+s10], $0x40, s0, s10, $0xb8;
	[tilespmem:$0x1C800] =	vst v63  }
0xcf: {  	s1 =	sadd.s32 $0x6400, s0  }
0xd0: {  	[tilespmem:s12], [sflag:$0x5] =	stream.indirect.gather [hbm4b:s4+s10], $0x40, s1, s10, $0xb8;
	[tilespmem:$0x1C800] =	vst v63  }
0xd1: {  	s30 =	sadd.s32 $0x80, s0  }
0xd2: {  	[tilespmem:s13], [sflag:$0x2] =	stream.indirect.gather [hbm4b:s3+s10], $0x40, s30, s10, $0xb8;
	[tilespmem:$0x1C800] =	vst v63  }
0xd3: {  	s31 =	sadd.s32 $0x6480, s0  }
0xd4: {  	[tilespmem:s14], [sflag:$0x6] =	stream.indirect.gather [hbm4b:s4+s10], $0x40, s31, s10, $0xb8;
	[tilespmem:$0x1C800] =	vst v63  }
0xd5: {  	s29 =	sadd.s32 $0x100, s0  }
0xd6: {  	[tilespmem:s15], [sflag:$0x3] =	stream.indirect.gather [hbm4b:s3+s10], $0x40, s29, s10, $0xb8;
	[tilespmem:$0x1C800] =	vst v63  }
0xd7: {  	s30 =	sadd.s32 $0x6500, s0  }
0xd8: {  	[tilespmem:s16], [sflag:$0x7] =	stream.indirect.gather [hbm4b:s4+s10], $0x40, s30, s10, $0xb8;
	[tilespmem:$0x1C800] =	vst v63  }
0xd9: {  	s31 =	sadd.s32 $0x180, s0  }
0xda: {  	[tilespmem:s17], [sflag:$0x4] =	stream.indirect.gather [hbm4b:s3+s10], $0x40, s31, s10, $0xb8;
	[tilespmem:$0x1C800] =	vst v63  }
0xdb: {  	s0 =	sadd.s32 $0x6580, s0  }
0xdc: {  	[tilespmem:s18], [sflag:$0x8] =	stream.indirect.gather [hbm4b:s4+s10], $0x40, s0, s10, $0xb8;
	[tilespmem:$0x1C800] =	vst v63  }
0xdd: {  	_ =	swait.ge [sflag:s19], $0x2000  }
0xde: {  	[sflag:s19] =	ssyncset.done $0x0  }
0xdf: {  	[sflag:s19] =	ssyncadd.s32 $0xFFFFE000  }
0xe0: {  	_ =	swait.ge [sflag:s20], $0x2000  }
0xe1: {  	s1 =	rddreg [dreg:$0x4];
	[sflag:s20] =	ssyncset.done $0x0  }
0xe2: {  	[sflag:s20] =	ssyncadd.s32 $0xFFFFE000;
	s0 =	sadd.s32 s5, s1  }
0xe3: {  	[hbm4b:s0+s21] =	stream.strided.scatter [tilespmem:s11], [sflag:$0x9], $0x2000, s10, s21, $0x38;
	[tilespmem:$0x1C800] =	vst v63  }
0xe4: {  	s0 =	sadd.s32 $0x8, s0  }
0xe5: {  	[hbm4b:s0+s21] =	stream.strided.scatter [tilespmem:s12], [sflag:$0xD], $0x2000, s10, s21, $0x38;
	[tilespmem:$0x1C800] =	vst v63  }
0xe6: {  	_ =	swait.ge [sflag:s22], $0x2000  }
0xe7: {  	[sflag:s22] =	ssyncset.done $0x0  }
0xe8: {  	[sflag:s22] =	ssyncadd.s32 $0xFFFFE000  }
0xe9: {  	_ =	swait.ge [sflag:s23], $0x2000  }
0xea: {  	s29 =	rddreg [dreg:$0x5]  }
0xeb: {  	[sflag:s23] =	ssyncset.done $0x0;
	s0 =	sadd.s32 s5, s29  }
0xec: {  	[sflag:s23] =	ssyncadd.s32 $0xFFFFE000;
	s30 =	sadd.s32 $0x800, s0  }
0xed: {  	[hbm4b:s30+s21] =	stream.strided.scatter [tilespmem:s13], [sflag:$0xA], $0x2000, s10, s21, $0x38;
	[tilespmem:$0x1C800] =	vst v63  }
0xee: {  	s31 =	sadd.s32 $0x808, s0  }
0xef: {  	[hbm4b:s31+s21] =	stream.strided.scatter [tilespmem:s14], [sflag:$0xE], $0x2000, s10, s21, $0x38;
	[tilespmem:$0x1C800] =	vst v63  }
0xf0: {  	_ =	swait.ge [sflag:s24], $0x2000  }
0xf1: {  	[sflag:s24] =	ssyncset.done $0x0  }
0xf2: {  	[sflag:s24] =	ssyncadd.s32 $0xFFFFE000  }
0xf3: {  	_ =	swait.ge [sflag:s25], $0x2000  }
0xf4: {  	[sflag:s25] =	ssyncset.done $0x0  }
0xf5: {  	s5 =	sadd.s32 $0x1000, s0;
	[sflag:s25] =	ssyncadd.s32 $0xFFFFE000  }
0xf6: {  	[hbm4b:s5+s21] =	stream.strided.scatter [tilespmem:s15], [sflag:$0xB], $0x2000, s10, s21, $0x38;
	[tilespmem:$0x1C800] =	vst v63  }
0xf7: {  	s29 =	sadd.s32 $0x1008, s0  }
0xf8: {  	[hbm4b:s29+s21] =	stream.strided.scatter [tilespmem:s16], [sflag:$0xF], $0x2000, s10, s21, $0x38;
	[tilespmem:$0x1C800] =	vst v63  }
0xf9: {  	_ =	swait.ge [sflag:s26], $0x2000  }
0xfa: {  	[sflag:s26] =	ssyncset.done $0x0  }
0xfb: {  	[sflag:s26] =	ssyncadd.s32 $0xFFFFE000  }
0xfc: {  	_ =	swait.ge [sflag:s28], $0x2000  }
0xfd: {  	[sflag:s28] =	ssyncset.done $0x0  }
0xfe: {  	s30 =	sadd.s32 $0x1800, s0;
	[sflag:s28] =	ssyncadd.s32 $0xFFFFE000  }
0xff: {  	[hbm4b:s30+s21] =	stream.strided.scatter [tilespmem:s17], [sflag:$0xC], $0x2000, s10, s21, $0x38;
	[tilespmem:$0x1C800] =	vst v63  }
0x100: {  	s0 =	sadd.s32 $0x1808, s0;
	s31 =	simm.s32 $0x9  }
0x101: {  	[hbm4b:s0+s21] =	stream.strided.scatter [tilespmem:s18], [sflag:$0x10], $0x2000, s10, s21, $0x38;
	[tilespmem:$0x1C800] =	vst v63  }
0x102: {  	_ =	swait.ge [sflag:s31], $0x2000  }
0x103: {  	[sflag:s31] =	ssyncset.done $0x0  }
0x104: {  	s1 =	simm.s32 $0xD;
	[sflag:s31] =	ssyncadd.s32 $0xFFFFE000  }
0x105: {  	_ =	swait.ge [sflag:s1], $0x2000  }
0x106: {  	[sflag:s1] =	ssyncset.done $0x0  }
0x107: {  	s5 =	simm.s32 $0xA;
	[sflag:s1] =	ssyncadd.s32 $0xFFFFE000  }
0x108: {  	_ =	swait.ge [sflag:s5], $0x2000  }
0x109: {  	[sflag:s5] =	ssyncset.done $0x0  }
0x10a: {  	s29 =	simm.s32 $0xE;
	[sflag:s5] =	ssyncadd.s32 $0xFFFFE000  }
0x10b: {  	_ =	swait.ge [sflag:s29], $0x2000  }
0x10c: {  	[sflag:s29] =	ssyncset.done $0x0  }
0x10d: {  	s30 =	simm.s32 $0xB;
	[sflag:s29] =	ssyncadd.s32 $0xFFFFE000  }
0x10e: {  	_ =	swait.ge [sflag:s30], $0x2000  }
0x10f: {  	[sflag:s30] =	ssyncset.done $0x0  }
0x110: {  	[sflag:s30] =	ssyncadd.s32 $0xFFFFE000  }
0x111: {  	_ =	swait.ge [sflag:s9], $0x2000  }
0x112: {  	[sflag:s9] =	ssyncset.done $0x0  }
0x113: {  	[sflag:s9] =	ssyncadd.s32 $0xFFFFE000  }
0x114: {  	_ =	swait.ge [sflag:s2], $0x2000  }
0x115: {  	[sflag:s2] =	ssyncset.done $0x0  }
0x116: {  	[sflag:s2] =	ssyncadd.s32 $0xFFFFE000  }
0x117: {  	_ =	swait.ge [sflag:s6], $0x2000  }
0x118: {  	s7 =	sadd.s32 $0x1, s7;
	s31 =	rddreg [dreg:$0x8]  }
0x119: {  	p0 =	sne.s32 s7, s31  }
.Ltmp1:
0x11a: {  	_ = 	snop;
	(pc) =	sbr.rel @p0 .LBB2_1-.Ltmp1, $3  }
0x11b: {  	_ =	sdelay $0x1  }
0x11c: {  	[sflag:s6] =	ssyncset.done $0x0  }
0x11d: {  	[sflag:s6] =	ssyncadd.s32 $0xFFFFE000  }
0x11e: {  	_ =	sfence.sel $0x180000  }
0x11f: {  	[bflag:$0x0] =	sbarrier.arrive $0xFFFF  }
0x120: {  	_ =	strace $0x90000047  }
0x121: {  	s0 =	stileid.u32;
	[bflag:$0x2] =	sbarrier.arrive $0xFFFF  }
0x122: {  	p0 =	sne.s32 s0, $0x0;
	s0 =	rddreg [dreg:$0x3]  }
0x123: {  	s0 =	sadd.s32 @!p0 $0x100000, s0  }
0x124: {  	[sflag:s0] =	ssyncadd.tile.s32 @!p0 $0x1;
	_ =	shalt  }
.Lfunc_end2:
_tile_overlayer_lowered:
.L_overlay_start_2:
0x125: {  	(tag) =	ssettag $0x2  }
0x126: {  	s0 =	rddreg [dreg:$0x0];
	s2 =	stileid.u32  }
0x127: {  	s1 =	rddreg [dreg:$0x1];
	p0 =	sne.s32 s2, $0x0  }
0x128: {  	s3 =	rddreg [dreg:$0x2];
	[bflag:$0x3] =	sbarrier.arrive $0xFFFF;
	s2 =	simm.s32 @!p0 $0x1C11  }
0x129: {  	[timem:s3], [sflag:s2] =	dma.local @!p0 [hbm:s0], s1  }
0x12a: {  	s0 =	simm.s32 @!p0 $0x11  }
0x12b: {  	_ =	swait.ge @!p0 [sflag:s0], s1  }
0x12c: {  	s1 =	ssub.s32 @!p0 $0x0, s1;
	[sflag:s0] =	ssyncset.done @!p0 $0x0  }
0x12d: {  	[sflag:s0] =	ssyncadd.s32 @!p0 s1  }
0x12e: {  	[bflag:$0x3] =	sbarrier.arrive $0xFFFF  }
0x12f: {  	_ =	shalt  }

</sc_bundles>
